<compile_context>
chip_gen: v7x
topology: tpu7x:2x2x1
jax: 0.10.2.dev20260603
libtpu: 0.0.44.dev20260713+nightly
codegen_flags: <defaults>
</compile_context>

<pallas_src>
import functools

import jax
import jax.numpy as jnp
from jax import lax
from jax.experimental import pallas as pl
from jax.experimental.pallas import tpu as pltpu
from jax.experimental.pallas import tpu_sc as plsc

NUM_ELEMENTS = 120
EMBED_DIM = 64
N_ATOMS = 100000

NC = 2
NS = 16
NW = NC * NS

PER_W = ((N_ATOMS // NW + 7) // 8) * 8
PER_LAST = N_ATOMS - (NW - 1) * PER_W

CHUNK = 256
NCH = PER_W // CHUNK
TAIL = PER_W - NCH * CHUNK
NCH_L = PER_LAST // CHUNK
TAIL_L = PER_LAST - NCH_L * CHUNK
NBUF = 3


def _gather_body(table_hbm, idx_hbm, out_hbm, idx_v, table_sh, rows_v, tail_v,
                 gsem, ssem, tsem):
    sid = lax.axis_index("s")
    wid = sid * NC + lax.axis_index("c")
    base = wid * PER_W
    @pl.when(sid == 0)
    def _():
        pltpu.sync_copy(table_hbm, table_sh)

    def pipeline(n_idx, nch, tail):
        pltpu.sync_copy(idx_hbm.at[pl.ds(base, n_idx)],
                        idx_v.at[pl.ds(0, n_idx)])
        plsc.subcore_barrier()

        def mk_gather(c):
            return pltpu.make_async_copy(
                table_sh.at[idx_v.at[pl.ds(c * CHUNK, CHUNK)]],
                rows_v.at[c % NBUF],
                gsem.at[c % NBUF],
            )

        def mk_store(c):
            return pltpu.make_async_copy(
                rows_v.at[c % NBUF],
                out_hbm.at[pl.ds(base + c * CHUNK, CHUNK)],
                ssem.at[c % NBUF],
            )

        def mk_tail_gather():
            return pltpu.make_async_copy(
                table_sh.at[idx_v.at[pl.ds(nch * CHUNK, tail)]],
                tail_v.at[pl.ds(0, tail)],
                tsem,
            )

        mk_tail_gather().start()
        for b in range(NBUF - 1):
            mk_gather(b).start()

        def step(j, carry):
            mk_gather(j).wait()
            mk_store(j).start()

            @pl.when(j >= 1)
            def _():
                mk_store(j - 1).wait()

            @pl.when(j + NBUF - 1 < nch)
            def _():
                mk_gather(j + NBUF - 1).start()

            return carry

        lax.fori_loop(0, nch, step, 0, unroll=False)

        mk_store(nch - 1).wait()
        mk_tail_gather().wait()
        pltpu.sync_copy(tail_v.at[pl.ds(0, tail)],
                        out_hbm.at[pl.ds(base + nch * CHUNK, tail)])

    @pl.when(wid < NW - 1)
    def _():
        pipeline(PER_W, NCH, TAIL)

    @pl.when(wid == NW - 1)
    def _():
        pipeline(PER_LAST, NCH_L, TAIL_L)


@jax.jit
def _sc_gather(table, idx):
    mesh = plsc.VectorSubcoreMesh(core_axis_name="c", subcore_axis_name="s")
    f = functools.partial(
        pl.kernel,
        out_type=jax.ShapeDtypeStruct((N_ATOMS, EMBED_DIM), jnp.float32),
        mesh=mesh,
        scratch_types=[
            pltpu.VMEM((PER_W,), jnp.int32),
            pltpu.VMEM_SHARED((NUM_ELEMENTS, EMBED_DIM), jnp.float32),
            pltpu.VMEM((NBUF, CHUNK, EMBED_DIM), jnp.float32),
            pltpu.VMEM((TAIL_L, EMBED_DIM), jnp.float32),
            pltpu.SemaphoreType.DMA((NBUF,)),
            pltpu.SemaphoreType.DMA((NBUF,)),
            pltpu.SemaphoreType.DMA,
        ],
        compiler_params=pltpu.CompilerParams(use_tc_tiling_on_sc=False),
    )(_gather_body)
    return f(table, idx)


def kernel(atomic_numbers, table):
    return _sc_gather(table, atomic_numbers.astype(jnp.int32))

# --- scband reference (transcript-rebuilt; emitter-appended) ---
"""Pipeline reference for scband-atomic-number-embedding-15848429322593 (READ-ONLY COPY).

The authoritative reference and input builder live on the scoring server;
editing this copy changes nothing except your own understanding.
"""

import jax, jax.numpy as jnp
import numpy as np

NUM_ELEMENTS = 120
EMBED_DIM = 64
N_ATOMS = 100000


def setup_inputs(seed: int = 0) -> dict:
    key = jax.random.key(seed)
    k_idx, k_tab = jax.random.split(key)
    atomic_numbers = jax.random.randint(k_idx, (N_ATOMS,), 0, NUM_ELEMENTS, dtype=jnp.int64 if jax.config.jax_enable_x64 else jnp.int32)
    # learned embedding table (nn.Embedding weight)
    table = jax.random.normal(k_tab, (NUM_ELEMENTS, EMBED_DIM), dtype=jnp.float32)
    return {"atomic_numbers": atomic_numbers, "table": table}


def reference(atomic_numbers, table):
    # nn.Embedding lookup: gather rows of table by index
    return jnp.take(table, atomic_numbers, axis=0)

if __name__ == "__main__":
    import jax
    _d = setup_inputs()
    print(jax.jit(kernel)(*tuple(_d.values())))

</pallas_src>

<mosaic_0001>
#map = affine_map<(d0, d1) -> (0, 0)>
#map1 = affine_map<(d0, d1) -> (0)>
module attributes {stable_mosaic.version = 14 : i64} {
  func.func @_gather_body(%arg0: i32, %arg1: i32, %arg2: memref<120x64xf32, #tpu.memory_space<hbm>>, %arg3: memref<100000xi32, #tpu.memory_space<hbm>>, %arg4: memref<100000x64xf32, #tpu.memory_space<hbm>>, %arg5: memref<3128xi32, #tpu.memory_space<vmem>>, %arg6: memref<120x64xf32, #tpu.memory_space<vmem_shared>>, %arg7: memref<3x256x64xf32, #tpu.memory_space<vmem>>, %arg8: memref<216x64xf32, #tpu.memory_space<vmem>>, %arg9: memref<3x!tpu.dma_semaphore, #tpu.memory_space<semaphore_mem>>, %arg10: memref<3x!tpu.dma_semaphore, #tpu.memory_space<semaphore_mem>>, %arg11: memref<!tpu.dma_semaphore, #tpu.memory_space<semaphore_mem>>) attributes {dimension_semantics = [#tpu.dimension_semantics<core_parallel>, #tpu.dimension_semantics<subcore_parallel>], iteration_bounds = array<i64: 2, 16>, scalar_prefetch = 0 : i64, scratch_operands = 7 : i64, tpu.core_type = #tpu.core_type<sc_vector_subcore>, window_params = [{transform_indices = #map}, {transform_indices = #map1}, {transform_indices = #map}]} {
    %mul3A = arith.constant 2 : i32
    %mul3A_0 = arith.muli %arg1, %mul3A : i32
    %add3A = arith.addi %mul3A_0, %arg0 : i32
    %mul3A_1 = arith.constant 3128 : i32
    %mul3A_2 = arith.muli %add3A, %mul3A_1 : i32
    %eq3A = arith.constant 0 : i32
    %eq3A_3 = arith.cmpi eq, %arg1, %eq3A : i32
    %convert_element_type3A = arith.extui %eq3A_3 : i1 to i32
    %cond3A = arith.constant 0 : i32
    %cond3A_4 = arith.cmpi ne, %convert_element_type3A, %cond3A : i32
    scf.if %cond3A_4 {
      "tpu.region"() ({
        %run_scoped3A = tpu.sem_alloc : memref<!tpu.dma_semaphore, #tpu.memory_space<semaphore_mem>>
        tpu.enqueue_dma source(%arg2 : memref<120x64xf32, #tpu.memory_space<hbm>>) target(%arg6 : memref<120x64xf32, #tpu.memory_space<vmem_shared>>) target_semaphore(%run_scoped3A : memref<!tpu.dma_semaphore, #tpu.memory_space<semaphore_mem>>)
        tpu.wait_dma2 semaphore(%run_scoped3A : memref<!tpu.dma_semaphore, #tpu.memory_space<semaphore_mem>>) src(%arg2 : memref<120x64xf32, #tpu.memory_space<hbm>>) dst(%arg6 : memref<120x64xf32, #tpu.memory_space<vmem_shared>>)
        tpu.yield
      }) : () -> ()
    } else {
    }
    %lt3A = arith.constant 31 : i32
    %lt3A_5 = arith.cmpi slt, %add3A, %lt3A : i32
    %convert_element_type3A_6 = arith.extui %lt3A_5 : i1 to i32
    %cond3A_7 = arith.constant 0 : i32
    %cond3A_8 = arith.cmpi ne, %convert_element_type3A_6, %cond3A_7 : i32
    scf.if %cond3A_8 {
      "tpu.region"() ({
        %run_scoped3A = tpu.sem_alloc : memref<!tpu.dma_semaphore, #tpu.memory_space<semaphore_mem>>
        %dma_start3A_79 = arith.constant 0 : i32
        %dma_start3A_80 = tpu.memref_slice %arg5[%dma_start3A_79] : memref<3128xi32, #tpu.memory_space<vmem>> -> memref<3128xi32, #tpu.memory_space<vmem>>
        %dma_start3A_81 = tpu.memref_slice %arg3[%mul3A_2] : memref<100000xi32, #tpu.memory_space<hbm>> -> memref<3128xi32, #tpu.memory_space<hbm>>
        %dma_start3A_82 = arith.constant 0 : i32
        %dma_start3A_83 = tpu.memref_slice %arg5[%dma_start3A_82] : memref<3128xi32, #tpu.memory_space<vmem>> -> memref<3128xi32, #tpu.memory_space<vmem>>
        %dma_start3A_84 = tpu.memref_slice %arg3[%mul3A_2] : memref<100000xi32, #tpu.memory_space<hbm>> -> memref<3128xi32, #tpu.memory_space<hbm>>
        tpu.enqueue_dma source(%dma_start3A_84 : memref<3128xi32, #tpu.memory_space<hbm>>) target(%dma_start3A_83 : memref<3128xi32, #tpu.memory_space<vmem>>) target_semaphore(%run_scoped3A : memref<!tpu.dma_semaphore, #tpu.memory_space<semaphore_mem>>)
        %dma_wait3A_85 = arith.constant 0 : i32
        %dma_wait3A_86 = tpu.memref_slice %arg5[%dma_wait3A_85] : memref<3128xi32, #tpu.memory_space<vmem>> -> memref<3128xi32, #tpu.memory_space<vmem>>
        %dma_wait3A_87 = tpu.memref_slice %arg3[%mul3A_2] : memref<100000xi32, #tpu.memory_space<hbm>> -> memref<3128xi32, #tpu.memory_space<hbm>>
        %dma_wait3A_88 = arith.constant 0 : i32
        %dma_wait3A_89 = tpu.memref_slice %arg5[%dma_wait3A_88] : memref<3128xi32, #tpu.memory_space<vmem>> -> memref<3128xi32, #tpu.memory_space<vmem>>
        %dma_wait3A_90 = tpu.memref_slice %arg3[%mul3A_2] : memref<100000xi32, #tpu.memory_space<hbm>> -> memref<3128xi32, #tpu.memory_space<hbm>>
        tpu.wait_dma2 semaphore(%run_scoped3A : memref<!tpu.dma_semaphore, #tpu.memory_space<semaphore_mem>>) src(%dma_wait3A_90 : memref<3128xi32, #tpu.memory_space<hbm>>) dst(%dma_wait3A_89 : memref<3128xi32, #tpu.memory_space<vmem>>)
        tpu.yield
      }) : () -> ()
      %barrier3A = arith.constant 0 : index
      tpu.barrier barrier_id(%barrier3A)
      %dma_start3A = arith.constant 0 : i32
      %dma_start3A_14 = arith.constant 0 : i32
      %dma_start3A_15 = tpu.memref_slice %arg8[%dma_start3A, %dma_start3A_14] : memref<216x64xf32, #tpu.memory_space<vmem>> -> memref<56x64xf32, #tpu.memory_space<vmem>>
      %dma_start3A_16 = arith.constant 3072 : i32
      %dma_start3A_17 = tpu.memref_slice %arg5[%dma_start3A_16] : memref<3128xi32, #tpu.memory_space<vmem>> -> memref<56xi32, #tpu.memory_space<vmem>>
      %dma_start3A_18 = arith.constant 0 : i32
      %dma_start3A_19 = arith.constant 0 : i32
      %dma_start3A_20 = tpu.memref_slice %arg6[%dma_start3A_18, %dma_start3A_19] : memref<120x64xf32, #tpu.memory_space<vmem_shared>> -> memref<120x64xf32, #tpu.memory_space<vmem_shared>>
      tpu.enqueue_indirect_dma source(%dma_start3A_20 : memref<120x64xf32, #tpu.memory_space<vmem_shared>>) target(%dma_start3A_15 : memref<56x64xf32, #tpu.memory_space<vmem>>) offsets(%dma_start3A_17 : memref<56xi32, #tpu.memory_space<vmem>>) semaphore(%arg11 : memref<!tpu.dma_semaphore, #tpu.memory_space<semaphore_mem>>)
      %dma_start3A_21 = arith.constant 0 : i32
      %dma_start3A_22 = arith.constant 0 : i32
      %dma_start3A_23 = arith.constant 0 : i32
      %dma_start3A_24 = arith.constant 0 : i32
      %dma_start3A_25 = tpu.memref_slice %arg7[%dma_start3A_21, %dma_start3A_23, %dma_start3A_24] : memref<3x256x64xf32, #tpu.memory_space<vmem>> -> memref<1x256x64xf32, #tpu.memory_space<vmem>>
      %dma_start3A_26 = tpu.memref_squeeze %dma_start3A_25 : memref<1x256x64xf32, #tpu.memory_space<vmem>> -> memref<256x64xf32, #tpu.memory_space<vmem>>
      %dma_start3A_27 = arith.constant 0 : i32
      %dma_start3A_28 = tpu.memref_slice %arg5[%dma_start3A_27] : memref<3128xi32, #tpu.memory_space<vmem>> -> memref<256xi32, #tpu.memory_space<vmem>>
      %dma_start3A_29 = arith.constant 0 : i32
      %dma_start3A_30 = arith.constant 0 : i32
      %dma_start3A_31 = tpu.memref_slice %arg6[%dma_start3A_29, %dma_start3A_30] : memref<120x64xf32, #tpu.memory_space<vmem_shared>> -> memref<120x64xf32, #tpu.memory_space<vmem_shared>>
      %dma_start3A_32 = tpu.memref_slice %arg9[%dma_start3A_22] : memref<3x!tpu.dma_semaphore, #tpu.memory_space<semaphore_mem>> -> memref<1x!tpu.dma_semaphore, #tpu.memory_space<semaphore_mem>>
      %dma_start3A_33 = tpu.memref_squeeze %dma_start3A_32 : memref<1x!tpu.dma_semaphore, #tpu.memory_space<semaphore_mem>> -> memref<!tpu.dma_semaphore, #tpu.memory_space<semaphore_mem>>
      tpu.enqueue_indirect_dma source(%dma_start3A_31 : memref<120x64xf32, #tpu.memory_space<vmem_shared>>) target(%dma_start3A_26 : memref<256x64xf32, #tpu.memory_space<vmem>>) offsets(%dma_start3A_28 : memref<256xi32, #tpu.memory_space<vmem>>) semaphore(%dma_start3A_33 : memref<!tpu.dma_semaphore, #tpu.memory_space<semaphore_mem>>)
      %dma_start3A_34 = arith.constant 1 : i32
      %dma_start3A_35 = arith.constant 1 : i32
      %dma_start3A_36 = arith.constant 0 : i32
      %dma_start3A_37 = arith.constant 0 : i32
      %dma_start3A_38 = tpu.memref_slice %arg7[%dma_start3A_34, %dma_start3A_36, %dma_start3A_37] : memref<3x256x64xf32, #tpu.memory_space<vmem>> -> memref<1x256x64xf32, #tpu.memory_space<vmem>>
      %dma_start3A_39 = tpu.memref_squeeze %dma_start3A_38 : memref<1x256x64xf32, #tpu.memory_space<vmem>> -> memref<256x64xf32, #tpu.memory_space<vmem>>
      %dma_start3A_40 = arith.constant 256 : i32
      %dma_start3A_41 = tpu.memref_slice %arg5[%dma_start3A_40] : memref<3128xi32, #tpu.memory_space<vmem>> -> memref<256xi32, #tpu.memory_space<vmem>>
      %dma_start3A_42 = arith.constant 0 : i32
      %dma_start3A_43 = arith.constant 0 : i32
      %dma_start3A_44 = tpu.memref_slice %arg6[%dma_start3A_42, %dma_start3A_43] : memref<120x64xf32, #tpu.memory_space<vmem_shared>> -> memref<120x64xf32, #tpu.memory_space<vmem_shared>>
      %dma_start3A_45 = tpu.memref_slice %arg9[%dma_start3A_35] : memref<3x!tpu.dma_semaphore, #tpu.memory_space<semaphore_mem>> -> memref<1x!tpu.dma_semaphore, #tpu.memory_space<semaphore_mem>>
      %dma_start3A_46 = tpu.memref_squeeze %dma_start3A_45 : memref<1x!tpu.dma_semaphore, #tpu.memory_space<semaphore_mem>> -> memref<!tpu.dma_semaphore, #tpu.memory_space<semaphore_mem>>
      tpu.enqueue_indirect_dma source(%dma_start3A_44 : memref<120x64xf32, #tpu.memory_space<vmem_shared>>) target(%dma_start3A_39 : memref<256x64xf32, #tpu.memory_space<vmem>>) offsets(%dma_start3A_41 : memref<256xi32, #tpu.memory_space<vmem>>) semaphore(%dma_start3A_46 : memref<!tpu.dma_semaphore, #tpu.memory_space<semaphore_mem>>)
      %scan3A = arith.constant 0 : i32
      %scan3A_47 = arith.constant 0 : i32
      %scan3A_48 = arith.constant 12 : i32
      %scan3A_49 = arith.addi %scan3A_47, %scan3A_48 : i32
      %scan3A_50 = arith.constant 1 : i32
      scf.for %scan3A_79 = %scan3A_47 to %scan3A_49 step %scan3A_50  : i32 {
        %mul3A_80 = arith.constant 256 : i32
        %mul3A_81 = arith.muli %scan3A_79, %mul3A_80 : i32
        %jit3A = arith.constant 3 : i32
        %eq3A_82 = arith.constant 0 : i32
        %eq3A_83 = arith.cmpi eq, %jit3A, %eq3A_82 : i32
        %jit3A_84 = arith.constant 1 : i32
        %select_n3A = arith.select %eq3A_83, %jit3A_84, %jit3A : i32
        %rem3A = arith.remsi %scan3A_79, %select_n3A : i32
        %ne3A = arith.constant 0 : i32
        %ne3A_85 = arith.cmpi ne, %rem3A, %ne3A : i32
        %lt3A_86 = arith.constant 0 : i32
        %lt3A_87 = arith.cmpi slt, %rem3A, %lt3A_86 : i32
        %lt3A_88 = arith.constant 0 : i32
        %lt3A_89 = arith.cmpi slt, %select_n3A, %lt3A_88 : i32
        %ne3A_90 = arith.xori %lt3A_87, %lt3A_89 : i1
        %and3A = arith.andi %ne3A_90, %ne3A_85 : i1
        %add3A_91 = arith.addi %rem3A, %select_n3A : i32
        %select_n3A_92 = arith.select %and3A, %add3A_91, %rem3A : i32
        %jit3A_93 = arith.constant 3 : i32
        %eq3A_94 = arith.constant 0 : i32
        %eq3A_95 = arith.cmpi eq, %jit3A_93, %eq3A_94 : i32
        %jit3A_96 = arith.constant 1 : i32
        %select_n3A_97 = arith.select %eq3A_95, %jit3A_96, %jit3A_93 : i32
        %rem3A_98 = arith.remsi %scan3A_79, %select_n3A_97 : i32
        %ne3A_99 = arith.constant 0 : i32
        %ne3A_100 = arith.cmpi ne, %rem3A_98, %ne3A_99 : i32
        %lt3A_101 = arith.constant 0 : i32
        %lt3A_102 = arith.cmpi slt, %rem3A_98, %lt3A_101 : i32
        %lt3A_103 = arith.constant 0 : i32
        %lt3A_104 = arith.cmpi slt, %select_n3A_97, %lt3A_103 : i32
        %ne3A_105 = arith.xori %lt3A_102, %lt3A_104 : i1
        %and3A_106 = arith.andi %ne3A_105, %ne3A_100 : i1
        %add3A_107 = arith.addi %rem3A_98, %select_n3A_97 : i32
        %select_n3A_108 = arith.select %and3A_106, %add3A_107, %rem3A_98 : i32
        %dma_wait3A_109 = arith.constant 0 : i32
        %dma_wait3A_110 = arith.constant 0 : i32
        %dma_wait3A_111 = tpu.memref_slice %arg7[%select_n3A_92, %dma_wait3A_109, %dma_wait3A_110] : memref<3x256x64xf32, #tpu.memory_space<vmem>> -> memref<1x256x64xf32, #tpu.memory_space<vmem>>
        %dma_wait3A_112 = tpu.memref_squeeze %dma_wait3A_111 : memref<1x256x64xf32, #tpu.memory_space<vmem>> -> memref<256x64xf32, #tpu.memory_space<vmem>>
        %dma_wait3A_113 = tpu.memref_slice %arg5[%mul3A_81] : memref<3128xi32, #tpu.memory_space<vmem>> -> memref<256xi32, #tpu.memory_space<vmem>>
        %dma_wait3A_114 = arith.constant 0 : i32
        %dma_wait3A_115 = arith.constant 0 : i32
        %dma_wait3A_116 = tpu.memref_slice %arg6[%dma_wait3A_114, %dma_wait3A_115] : memref<120x64xf32, #tpu.memory_space<vmem_shared>> -> memref<120x64xf32, #tpu.memory_space<vmem_shared>>
        %dma_wait3A_117 = tpu.memref_slice %arg9[%select_n3A_108] : memref<3x!tpu.dma_semaphore, #tpu.memory_space<semaphore_mem>> -> memref<1x!tpu.dma_semaphore, #tpu.memory_space<semaphore_mem>>
        %dma_wait3A_118 = tpu.memref_squeeze %dma_wait3A_117 : memref<1x!tpu.dma_semaphore, #tpu.memory_space<semaphore_mem>> -> memref<!tpu.dma_semaphore, #tpu.memory_space<semaphore_mem>>
        tpu.wait_indirect_dma semaphore(%dma_wait3A_118 : memref<!tpu.dma_semaphore, #tpu.memory_space<semaphore_mem>>) src(%dma_wait3A_116 : memref<120x64xf32, #tpu.memory_space<vmem_shared>>) dst(%dma_wait3A_112 : memref<256x64xf32, #tpu.memory_space<vmem>>)
        %jit3A_119 = arith.constant 3 : i32
        %eq3A_120 = arith.constant 0 : i32
        %eq3A_121 = arith.cmpi eq, %jit3A_119, %eq3A_120 : i32
        %jit3A_122 = arith.constant 1 : i32
        %select_n3A_123 = arith.select %eq3A_121, %jit3A_122, %jit3A_119 : i32
        %rem3A_124 = arith.remsi %scan3A_79, %select_n3A_123 : i32
        %ne3A_125 = arith.constant 0 : i32
        %ne3A_126 = arith.cmpi ne, %rem3A_124, %ne3A_125 : i32
        %lt3A_127 = arith.constant 0 : i32
        %lt3A_128 = arith.cmpi slt, %rem3A_124, %lt3A_127 : i32
        %lt3A_129 = arith.constant 0 : i32
        %lt3A_130 = arith.cmpi slt, %select_n3A_123, %lt3A_129 : i32
        %ne3A_131 = arith.xori %lt3A_128, %lt3A_130 : i1
        %and3A_132 = arith.andi %ne3A_131, %ne3A_126 : i1
        %add3A_133 = arith.addi %rem3A_124, %select_n3A_123 : i32
        %select_n3A_134 = arith.select %and3A_132, %add3A_133, %rem3A_124 : i32
        %mul3A_135 = arith.constant 256 : i32
        %mul3A_136 = arith.muli %scan3A_79, %mul3A_135 : i32
        %add3A_137 = arith.addi %mul3A_2, %mul3A_136 : i32
        %jit3A_138 = arith.constant 3 : i32
        %eq3A_139 = arith.constant 0 : i32
        %eq3A_140 = arith.cmpi eq, %jit3A_138, %eq3A_139 : i32
        %jit3A_141 = arith.constant 1 : i32
        %select_n3A_142 = arith.select %eq3A_140, %jit3A_141, %jit3A_138 : i32
        %rem3A_143 = arith.remsi %scan3A_79, %select_n3A_142 : i32
        %ne3A_144 = arith.constant 0 : i32
        %ne3A_145 = arith.cmpi ne, %rem3A_143, %ne3A_144 : i32
        %lt3A_146 = arith.constant 0 : i32
        %lt3A_147 = arith.cmpi slt, %rem3A_143, %lt3A_146 : i32
        %lt3A_148 = arith.constant 0 : i32
        %lt3A_149 = arith.cmpi slt, %select_n3A_142, %lt3A_148 : i32
        %ne3A_150 = arith.xori %lt3A_147, %lt3A_149 : i1
        %and3A_151 = arith.andi %ne3A_150, %ne3A_145 : i1
        %add3A_152 = arith.addi %rem3A_143, %select_n3A_142 : i32
        %select_n3A_153 = arith.select %and3A_151, %add3A_152, %rem3A_143 : i32
        %dma_start3A_154 = arith.constant 0 : i32
        %dma_start3A_155 = arith.constant 0 : i32
        %dma_start3A_156 = tpu.memref_slice %arg7[%select_n3A_134, %dma_start3A_154, %dma_start3A_155] : memref<3x256x64xf32, #tpu.memory_space<vmem>> -> memref<1x256x64xf32, #tpu.memory_space<vmem>>
        %dma_start3A_157 = tpu.memref_squeeze %dma_start3A_156 : memref<1x256x64xf32, #tpu.memory_space<vmem>> -> memref<256x64xf32, #tpu.memory_space<vmem>>
        %dma_start3A_158 = arith.constant 0 : i32
        %dma_start3A_159 = tpu.memref_slice %arg4[%add3A_137, %dma_start3A_158] : memref<100000x64xf32, #tpu.memory_space<hbm>> -> memref<256x64xf32, #tpu.memory_space<hbm>>
        %dma_start3A_160 = tpu.memref_slice %arg10[%select_n3A_153] : memref<3x!tpu.dma_semaphore, #tpu.memory_space<semaphore_mem>> -> memref<1x!tpu.dma_semaphore, #tpu.memory_space<semaphore_mem>>
        %dma_start3A_161 = tpu.memref_squeeze %dma_start3A_160 : memref<1x!tpu.dma_semaphore, #tpu.memory_space<semaphore_mem>> -> memref<!tpu.dma_semaphore, #tpu.memory_space<semaphore_mem>>
        %dma_start3A_162 = arith.constant 0 : i32
        %dma_start3A_163 = tpu.memref_slice %arg4[%add3A_137, %dma_start3A_162] : memref<100000x64xf32, #tpu.memory_space<hbm>> -> memref<256x64xf32, #tpu.memory_space<hbm>>
        %dma_start3A_164 = arith.constant 0 : i32
        %dma_start3A_165 = arith.constant 0 : i32
        %dma_start3A_166 = tpu.memref_slice %arg7[%select_n3A_134, %dma_start3A_164, %dma_start3A_165] : memref<3x256x64xf32, #tpu.memory_space<vmem>> -> memref<1x256x64xf32, #tpu.memory_space<vmem>>
        %dma_start3A_167 = tpu.memref_squeeze %dma_start3A_166 : memref<1x256x64xf32, #tpu.memory_space<vmem>> -> memref<256x64xf32, #tpu.memory_space<vmem>>
        tpu.enqueue_dma source(%dma_start3A_167 : memref<256x64xf32, #tpu.memory_space<vmem>>) target(%dma_start3A_163 : memref<256x64xf32, #tpu.memory_space<hbm>>) target_semaphore(%dma_start3A_161 : memref<!tpu.dma_semaphore, #tpu.memory_space<semaphore_mem>>)
        %ge3A = arith.constant 1 : i32
        %ge3A_168 = arith.cmpi sge, %scan3A_79, %ge3A : i32
        %convert_element_type3A_169 = arith.extui %ge3A_168 : i1 to i32
        %cond3A_170 = arith.constant 0 : i32
        %cond3A_171 = arith.cmpi ne, %convert_element_type3A_169, %cond3A_170 : i32
        scf.if %cond3A_171 {
          %sub3A_180 = arith.constant 1 : i32
          %sub3A_181 = arith.subi %scan3A_79, %sub3A_180 : i32
          %jit3A_182 = arith.constant 3 : i32
          %eq3A_183 = arith.constant 0 : i32
          %eq3A_184 = arith.cmpi eq, %jit3A_182, %eq3A_183 : i32
          %jit3A_185 = arith.constant 1 : i32
          %select_n3A_186 = arith.select %eq3A_184, %jit3A_185, %jit3A_182 : i32
          %rem3A_187 = arith.remsi %sub3A_181, %select_n3A_186 : i32
          %ne3A_188 = arith.constant 0 : i32
          %ne3A_189 = arith.cmpi ne, %rem3A_187, %ne3A_188 : i32
          %lt3A_190 = arith.constant 0 : i32
          %lt3A_191 = arith.cmpi slt, %rem3A_187, %lt3A_190 : i32
          %lt3A_192 = arith.constant 0 : i32
          %lt3A_193 = arith.cmpi slt, %select_n3A_186, %lt3A_192 : i32
          %ne3A_194 = arith.xori %lt3A_191, %lt3A_193 : i1
          %and3A_195 = arith.andi %ne3A_194, %ne3A_189 : i1
          %add3A_196 = arith.addi %rem3A_187, %select_n3A_186 : i32
          %select_n3A_197 = arith.select %and3A_195, %add3A_196, %rem3A_187 : i32
          %mul3A_198 = arith.constant 256 : i32
          %mul3A_199 = arith.muli %sub3A_181, %mul3A_198 : i32
          %add3A_200 = arith.addi %mul3A_2, %mul3A_199 : i32
          %jit3A_201 = arith.constant 3 : i32
          %eq3A_202 = arith.constant 0 : i32
          %eq3A_203 = arith.cmpi eq, %jit3A_201, %eq3A_202 : i32
          %jit3A_204 = arith.constant 1 : i32
          %select_n3A_205 = arith.select %eq3A_203, %jit3A_204, %jit3A_201 : i32
          %rem3A_206 = arith.remsi %sub3A_181, %select_n3A_205 : i32
          %ne3A_207 = arith.constant 0 : i32
          %ne3A_208 = arith.cmpi ne, %rem3A_206, %ne3A_207 : i32
          %lt3A_209 = arith.constant 0 : i32
          %lt3A_210 = arith.cmpi slt, %rem3A_206, %lt3A_209 : i32
          %lt3A_211 = arith.constant 0 : i32
          %lt3A_212 = arith.cmpi slt, %select_n3A_205, %lt3A_211 : i32
          %ne3A_213 = arith.xori %lt3A_210, %lt3A_212 : i1
          %and3A_214 = arith.andi %ne3A_213, %ne3A_208 : i1
          %add3A_215 = arith.addi %rem3A_206, %select_n3A_205 : i32
          %select_n3A_216 = arith.select %and3A_214, %add3A_215, %rem3A_206 : i32
          %dma_wait3A_217 = arith.constant 0 : i32
          %dma_wait3A_218 = arith.constant 0 : i32
          %dma_wait3A_219 = tpu.memref_slice %arg7[%select_n3A_197, %dma_wait3A_217, %dma_wait3A_218] : memref<3x256x64xf32, #tpu.memory_space<vmem>> -> memref<1x256x64xf32, #tpu.memory_space<vmem>>
          %dma_wait3A_220 = tpu.memref_squeeze %dma_wait3A_219 : memref<1x256x64xf32, #tpu.memory_space<vmem>> -> memref<256x64xf32, #tpu.memory_space<vmem>>
          %dma_wait3A_221 = arith.constant 0 : i32
          %dma_wait3A_222 = tpu.memref_slice %arg4[%add3A_200, %dma_wait3A_221] : memref<100000x64xf32, #tpu.memory_space<hbm>> -> memref<256x64xf32, #tpu.memory_space<hbm>>
          %dma_wait3A_223 = tpu.memref_slice %arg10[%select_n3A_216] : memref<3x!tpu.dma_semaphore, #tpu.memory_space<semaphore_mem>> -> memref<1x!tpu.dma_semaphore, #tpu.memory_space<semaphore_mem>>
          %dma_wait3A_224 = tpu.memref_squeeze %dma_wait3A_223 : memref<1x!tpu.dma_semaphore, #tpu.memory_space<semaphore_mem>> -> memref<!tpu.dma_semaphore, #tpu.memory_space<semaphore_mem>>
          %dma_wait3A_225 = arith.constant 0 : i32
          %dma_wait3A_226 = tpu.memref_slice %arg4[%add3A_200, %dma_wait3A_225] : memref<100000x64xf32, #tpu.memory_space<hbm>> -> memref<256x64xf32, #tpu.memory_space<hbm>>
          %dma_wait3A_227 = arith.constant 0 : i32
          %dma_wait3A_228 = arith.constant 0 : i32
          %dma_wait3A_229 = tpu.memref_slice %arg7[%select_n3A_197, %dma_wait3A_227, %dma_wait3A_228] : memref<3x256x64xf32, #tpu.memory_space<vmem>> -> memref<1x256x64xf32, #tpu.memory_space<vmem>>
          %dma_wait3A_230 = tpu.memref_squeeze %dma_wait3A_229 : memref<1x256x64xf32, #tpu.memory_space<vmem>> -> memref<256x64xf32, #tpu.memory_space<vmem>>
          tpu.wait_dma2 semaphore(%dma_wait3A_224 : memref<!tpu.dma_semaphore, #tpu.memory_space<semaphore_mem>>) src(%dma_wait3A_230 : memref<256x64xf32, #tpu.memory_space<vmem>>) dst(%dma_wait3A_226 : memref<256x64xf32, #tpu.memory_space<hbm>>)
        } else {
        }
        %add3A_172 = arith.constant 3 : i32
        %add3A_173 = arith.addi %scan3A_79, %add3A_172 : i32
        %sub3A = arith.constant 1 : i32
        %sub3A_174 = arith.subi %add3A_173, %sub3A : i32
        %lt3A_175 = arith.constant 12 : i32
        %lt3A_176 = arith.cmpi slt, %sub3A_174, %lt3A_175 : i32
        %convert_element_type3A_177 = arith.extui %lt3A_176 : i1 to i32
        %cond3A_178 = arith.constant 0 : i32
        %cond3A_179 = arith.cmpi ne, %convert_element_type3A_177, %cond3A_178 : i32
        scf.if %cond3A_179 {
          %add3A_180 = arith.constant 3 : i32
          %add3A_181 = arith.addi %scan3A_79, %add3A_180 : i32
          %sub3A_182 = arith.constant 1 : i32
          %sub3A_183 = arith.subi %add3A_181, %sub3A_182 : i32
          %mul3A_184 = arith.constant 256 : i32
          %mul3A_185 = arith.muli %sub3A_183, %mul3A_184 : i32
          %jit3A_186 = arith.constant 3 : i32
          %eq3A_187 = arith.constant 0 : i32
          %eq3A_188 = arith.cmpi eq, %jit3A_186, %eq3A_187 : i32
          %jit3A_189 = arith.constant 1 : i32
          %select_n3A_190 = arith.select %eq3A_188, %jit3A_189, %jit3A_186 : i32
          %rem3A_191 = arith.remsi %sub3A_183, %select_n3A_190 : i32
          %ne3A_192 = arith.constant 0 : i32
          %ne3A_193 = arith.cmpi ne, %rem3A_191, %ne3A_192 : i32
          %lt3A_194 = arith.constant 0 : i32
          %lt3A_195 = arith.cmpi slt, %rem3A_191, %lt3A_194 : i32
          %lt3A_196 = arith.constant 0 : i32
          %lt3A_197 = arith.cmpi slt, %select_n3A_190, %lt3A_196 : i32
          %ne3A_198 = arith.xori %lt3A_195, %lt3A_197 : i1
          %and3A_199 = arith.andi %ne3A_198, %ne3A_193 : i1
          %add3A_200 = arith.addi %rem3A_191, %select_n3A_190 : i32
          %select_n3A_201 = arith.select %and3A_199, %add3A_200, %rem3A_191 : i32
          %jit3A_202 = arith.constant 3 : i32
          %eq3A_203 = arith.constant 0 : i32
          %eq3A_204 = arith.cmpi eq, %jit3A_202, %eq3A_203 : i32
          %jit3A_205 = arith.constant 1 : i32
          %select_n3A_206 = arith.select %eq3A_204, %jit3A_205, %jit3A_202 : i32
          %rem3A_207 = arith.remsi %sub3A_183, %select_n3A_206 : i32
          %ne3A_208 = arith.constant 0 : i32
          %ne3A_209 = arith.cmpi ne, %rem3A_207, %ne3A_208 : i32
          %lt3A_210 = arith.constant 0 : i32
          %lt3A_211 = arith.cmpi slt, %rem3A_207, %lt3A_210 : i32
          %lt3A_212 = arith.constant 0 : i32
          %lt3A_213 = arith.cmpi slt, %select_n3A_206, %lt3A_212 : i32
          %ne3A_214 = arith.xori %lt3A_211, %lt3A_213 : i1
          %and3A_215 = arith.andi %ne3A_214, %ne3A_209 : i1
          %add3A_216 = arith.addi %rem3A_207, %select_n3A_206 : i32
          %select_n3A_217 = arith.select %and3A_215, %add3A_216, %rem3A_207 : i32
          %dma_start3A_218 = arith.constant 0 : i32
          %dma_start3A_219 = arith.constant 0 : i32
          %dma_start3A_220 = tpu.memref_slice %arg7[%select_n3A_201, %dma_start3A_218, %dma_start3A_219] : memref<3x256x64xf32, #tpu.memory_space<vmem>> -> memref<1x256x64xf32, #tpu.memory_space<vmem>>
          %dma_start3A_221 = tpu.memref_squeeze %dma_start3A_220 : memref<1x256x64xf32, #tpu.memory_space<vmem>> -> memref<256x64xf32, #tpu.memory_space<vmem>>
          %dma_start3A_222 = tpu.memref_slice %arg5[%mul3A_185] : memref<3128xi32, #tpu.memory_space<vmem>> -> memref<256xi32, #tpu.memory_space<vmem>>
          %dma_start3A_223 = arith.constant 0 : i32
          %dma_start3A_224 = arith.constant 0 : i32
          %dma_start3A_225 = tpu.memref_slice %arg6[%dma_start3A_223, %dma_start3A_224] : memref<120x64xf32, #tpu.memory_space<vmem_shared>> -> memref<120x64xf32, #tpu.memory_space<vmem_shared>>
          %dma_start3A_226 = tpu.memref_slice %arg9[%select_n3A_217] : memref<3x!tpu.dma_semaphore, #tpu.memory_space<semaphore_mem>> -> memref<1x!tpu.dma_semaphore, #tpu.memory_space<semaphore_mem>>
          %dma_start3A_227 = tpu.memref_squeeze %dma_start3A_226 : memref<1x!tpu.dma_semaphore, #tpu.memory_space<semaphore_mem>> -> memref<!tpu.dma_semaphore, #tpu.memory_space<semaphore_mem>>
          tpu.enqueue_indirect_dma source(%dma_start3A_225 : memref<120x64xf32, #tpu.memory_space<vmem_shared>>) target(%dma_start3A_221 : memref<256x64xf32, #tpu.memory_space<vmem>>) offsets(%dma_start3A_222 : memref<256xi32, #tpu.memory_space<vmem>>) semaphore(%dma_start3A_227 : memref<!tpu.dma_semaphore, #tpu.memory_space<semaphore_mem>>)
        } else {
        }
      }
      %scan3A_51 = arith.constant 12 : i32
      %add3A_52 = arith.constant 2816 : i32
      %add3A_53 = arith.addi %mul3A_2, %add3A_52 : i32
      %dma_wait3A = arith.constant 2 : i32
      %dma_wait3A_54 = arith.constant 2 : i32
      %dma_wait3A_55 = arith.constant 0 : i32
      %dma_wait3A_56 = arith.constant 0 : i32
      %dma_wait3A_57 = tpu.memref_slice %arg7[%dma_wait3A, %dma_wait3A_55, %dma_wait3A_56] : memref<3x256x64xf32, #tpu.memory_space<vmem>> -> memref<1x256x64xf32, #tpu.memory_space<vmem>>
      %dma_wait3A_58 = tpu.memref_squeeze %dma_wait3A_57 : memref<1x256x64xf32, #tpu.memory_space<vmem>> -> memref<256x64xf32, #tpu.memory_space<vmem>>
      %dma_wait3A_59 = arith.constant 0 : i32
      %dma_wait3A_60 = tpu.memref_slice %arg4[%add3A_53, %dma_wait3A_59] : memref<100000x64xf32, #tpu.memory_space<hbm>> -> memref<256x64xf32, #tpu.memory_space<hbm>>
      %dma_wait3A_61 = tpu.memref_slice %arg10[%dma_wait3A_54] : memref<3x!tpu.dma_semaphore, #tpu.memory_space<semaphore_mem>> -> memref<1x!tpu.dma_semaphore, #tpu.memory_space<semaphore_mem>>
      %dma_wait3A_62 = tpu.memref_squeeze %dma_wait3A_61 : memref<1x!tpu.dma_semaphore, #tpu.memory_space<semaphore_mem>> -> memref<!tpu.dma_semaphore, #tpu.memory_space<semaphore_mem>>
      %dma_wait3A_63 = arith.constant 0 : i32
      %dma_wait3A_64 = tpu.memref_slice %arg4[%add3A_53, %dma_wait3A_63] : memref<100000x64xf32, #tpu.memory_space<hbm>> -> memref<256x64xf32, #tpu.memory_space<hbm>>
      %dma_wait3A_65 = arith.constant 0 : i32
      %dma_wait3A_66 = arith.constant 0 : i32
      %dma_wait3A_67 = tpu.memref_slice %arg7[%dma_wait3A, %dma_wait3A_65, %dma_wait3A_66] : memref<3x256x64xf32, #tpu.memory_space<vmem>> -> memref<1x256x64xf32, #tpu.memory_space<vmem>>
      %dma_wait3A_68 = tpu.memref_squeeze %dma_wait3A_67 : memref<1x256x64xf32, #tpu.memory_space<vmem>> -> memref<256x64xf32, #tpu.memory_space<vmem>>
      tpu.wait_dma2 semaphore(%dma_wait3A_62 : memref<!tpu.dma_semaphore, #tpu.memory_space<semaphore_mem>>) src(%dma_wait3A_68 : memref<256x64xf32, #tpu.memory_space<vmem>>) dst(%dma_wait3A_64 : memref<256x64xf32, #tpu.memory_space<hbm>>)
      %dma_wait3A_69 = arith.constant 0 : i32
      %dma_wait3A_70 = arith.constant 0 : i32
      %dma_wait3A_71 = tpu.memref_slice %arg8[%dma_wait3A_69, %dma_wait3A_70] : memref<216x64xf32, #tpu.memory_space<vmem>> -> memref<56x64xf32, #tpu.memory_space<vmem>>
      %dma_wait3A_72 = arith.constant 3072 : i32
      %dma_wait3A_73 = tpu.memref_slice %arg5[%dma_wait3A_72] : memref<3128xi32, #tpu.memory_space<vmem>> -> memref<56xi32, #tpu.memory_space<vmem>>
      %dma_wait3A_74 = arith.constant 0 : i32
      %dma_wait3A_75 = arith.constant 0 : i32
      %dma_wait3A_76 = tpu.memref_slice %arg6[%dma_wait3A_74, %dma_wait3A_75] : memref<120x64xf32, #tpu.memory_space<vmem_shared>> -> memref<120x64xf32, #tpu.memory_space<vmem_shared>>
      tpu.wait_indirect_dma semaphore(%arg11 : memref<!tpu.dma_semaphore, #tpu.memory_space<semaphore_mem>>) src(%dma_wait3A_76 : memref<120x64xf32, #tpu.memory_space<vmem_shared>>) dst(%dma_wait3A_71 : memref<56x64xf32, #tpu.memory_space<vmem>>)
      %add3A_77 = arith.constant 3072 : i32
      %add3A_78 = arith.addi %mul3A_2, %add3A_77 : i32
      "tpu.region"() ({
        %run_scoped3A = tpu.sem_alloc : memref<!tpu.dma_semaphore, #tpu.memory_space<semaphore_mem>>
        %dma_start3A_79 = arith.constant 0 : i32
        %dma_start3A_80 = arith.constant 0 : i32
        %dma_start3A_81 = tpu.memref_slice %arg8[%dma_start3A_79, %dma_start3A_80] : memref<216x64xf32, #tpu.memory_space<vmem>> -> memref<56x64xf32, #tpu.memory_space<vmem>>
        %dma_start3A_82 = arith.constant 0 : i32
        %dma_start3A_83 = tpu.memref_slice %arg4[%add3A_78, %dma_start3A_82] : memref<100000x64xf32, #tpu.memory_space<hbm>> -> memref<56x64xf32, #tpu.memory_space<hbm>>
        %dma_start3A_84 = arith.constant 0 : i32
        %dma_start3A_85 = tpu.memref_slice %arg4[%add3A_78, %dma_start3A_84] : memref<100000x64xf32, #tpu.memory_space<hbm>> -> memref<56x64xf32, #tpu.memory_space<hbm>>
        %dma_start3A_86 = arith.constant 0 : i32
        %dma_start3A_87 = arith.constant 0 : i32
        %dma_start3A_88 = tpu.memref_slice %arg8[%dma_start3A_86, %dma_start3A_87] : memref<216x64xf32, #tpu.memory_space<vmem>> -> memref<56x64xf32, #tpu.memory_space<vmem>>
        tpu.enqueue_dma source(%dma_start3A_88 : memref<56x64xf32, #tpu.memory_space<vmem>>) target(%dma_start3A_85 : memref<56x64xf32, #tpu.memory_space<hbm>>) target_semaphore(%run_scoped3A : memref<!tpu.dma_semaphore, #tpu.memory_space<semaphore_mem>>)
        %dma_wait3A_89 = arith.constant 0 : i32
        %dma_wait3A_90 = arith.constant 0 : i32
        %dma_wait3A_91 = tpu.memref_slice %arg8[%dma_wait3A_89, %dma_wait3A_90] : memref<216x64xf32, #tpu.memory_space<vmem>> -> memref<56x64xf32, #tpu.memory_space<vmem>>
        %dma_wait3A_92 = arith.constant 0 : i32
        %dma_wait3A_93 = tpu.memref_slice %arg4[%add3A_78, %dma_wait3A_92] : memref<100000x64xf32, #tpu.memory_space<hbm>> -> memref<56x64xf32, #tpu.memory_space<hbm>>
        %dma_wait3A_94 = arith.constant 0 : i32
        %dma_wait3A_95 = tpu.memref_slice %arg4[%add3A_78, %dma_wait3A_94] : memref<100000x64xf32, #tpu.memory_space<hbm>> -> memref<56x64xf32, #tpu.memory_space<hbm>>
        %dma_wait3A_96 = arith.constant 0 : i32
        %dma_wait3A_97 = arith.constant 0 : i32
        %dma_wait3A_98 = tpu.memref_slice %arg8[%dma_wait3A_96, %dma_wait3A_97] : memref<216x64xf32, #tpu.memory_space<vmem>> -> memref<56x64xf32, #tpu.memory_space<vmem>>
        tpu.wait_dma2 semaphore(%run_scoped3A : memref<!tpu.dma_semaphore, #tpu.memory_space<semaphore_mem>>) src(%dma_wait3A_98 : memref<56x64xf32, #tpu.memory_space<vmem>>) dst(%dma_wait3A_95 : memref<56x64xf32, #tpu.memory_space<hbm>>)
        tpu.yield
      }) : () -> ()
    } else {
    }
    %eq3A_9 = arith.constant 31 : i32
    %eq3A_10 = arith.cmpi eq, %add3A, %eq3A_9 : i32
    %convert_element_type3A_11 = arith.extui %eq3A_10 : i1 to i32
    %cond3A_12 = arith.constant 0 : i32
    %cond3A_13 = arith.cmpi ne, %convert_element_type3A_11, %cond3A_12 : i32
    scf.if %cond3A_13 {
      "tpu.region"() ({
        %run_scoped3A = tpu.sem_alloc : memref<!tpu.dma_semaphore, #tpu.memory_space<semaphore_mem>>
        %dma_start3A_79 = arith.constant 0 : i32
        %dma_start3A_80 = tpu.memref_slice %arg5[%dma_start3A_79] : memref<3128xi32, #tpu.memory_space<vmem>> -> memref<3032xi32, #tpu.memory_space<vmem>>
        %dma_start3A_81 = tpu.memref_slice %arg3[%mul3A_2] : memref<100000xi32, #tpu.memory_space<hbm>> -> memref<3032xi32, #tpu.memory_space<hbm>>
        %dma_start3A_82 = arith.constant 0 : i32
        %dma_start3A_83 = tpu.memref_slice %arg5[%dma_start3A_82] : memref<3128xi32, #tpu.memory_space<vmem>> -> memref<3032xi32, #tpu.memory_space<vmem>>
        %dma_start3A_84 = tpu.memref_slice %arg3[%mul3A_2] : memref<100000xi32, #tpu.memory_space<hbm>> -> memref<3032xi32, #tpu.memory_space<hbm>>
        tpu.enqueue_dma source(%dma_start3A_84 : memref<3032xi32, #tpu.memory_space<hbm>>) target(%dma_start3A_83 : memref<3032xi32, #tpu.memory_space<vmem>>) target_semaphore(%run_scoped3A : memref<!tpu.dma_semaphore, #tpu.memory_space<semaphore_mem>>)
        %dma_wait3A_85 = arith.constant 0 : i32
        %dma_wait3A_86 = tpu.memref_slice %arg5[%dma_wait3A_85] : memref<3128xi32, #tpu.memory_space<vmem>> -> memref<3032xi32, #tpu.memory_space<vmem>>
        %dma_wait3A_87 = tpu.memref_slice %arg3[%mul3A_2] : memref<100000xi32, #tpu.memory_space<hbm>> -> memref<3032xi32, #tpu.memory_space<hbm>>
        %dma_wait3A_88 = arith.constant 0 : i32
        %dma_wait3A_89 = tpu.memref_slice %arg5[%dma_wait3A_88] : memref<3128xi32, #tpu.memory_space<vmem>> -> memref<3032xi32, #tpu.memory_space<vmem>>
        %dma_wait3A_90 = tpu.memref_slice %arg3[%mul3A_2] : memref<100000xi32, #tpu.memory_space<hbm>> -> memref<3032xi32, #tpu.memory_space<hbm>>
        tpu.wait_dma2 semaphore(%run_scoped3A : memref<!tpu.dma_semaphore, #tpu.memory_space<semaphore_mem>>) src(%dma_wait3A_90 : memref<3032xi32, #tpu.memory_space<hbm>>) dst(%dma_wait3A_89 : memref<3032xi32, #tpu.memory_space<vmem>>)
        tpu.yield
      }) : () -> ()
      %barrier3A = arith.constant 0 : index
      tpu.barrier barrier_id(%barrier3A)
      %dma_start3A = arith.constant 0 : i32
      %dma_start3A_14 = arith.constant 0 : i32
      %dma_start3A_15 = tpu.memref_slice %arg8[%dma_start3A, %dma_start3A_14] : memref<216x64xf32, #tpu.memory_space<vmem>> -> memref<216x64xf32, #tpu.memory_space<vmem>>
      %dma_start3A_16 = arith.constant 2816 : i32
      %dma_start3A_17 = tpu.memref_slice %arg5[%dma_start3A_16] : memref<3128xi32, #tpu.memory_space<vmem>> -> memref<216xi32, #tpu.memory_space<vmem>>
      %dma_start3A_18 = arith.constant 0 : i32
      %dma_start3A_19 = arith.constant 0 : i32
      %dma_start3A_20 = tpu.memref_slice %arg6[%dma_start3A_18, %dma_start3A_19] : memref<120x64xf32, #tpu.memory_space<vmem_shared>> -> memref<120x64xf32, #tpu.memory_space<vmem_shared>>
      tpu.enqueue_indirect_dma source(%dma_start3A_20 : memref<120x64xf32, #tpu.memory_space<vmem_shared>>) target(%dma_start3A_15 : memref<216x64xf32, #tpu.memory_space<vmem>>) offsets(%dma_start3A_17 : memref<216xi32, #tpu.memory_space<vmem>>) semaphore(%arg11 : memref<!tpu.dma_semaphore, #tpu.memory_space<semaphore_mem>>)
      %dma_start3A_21 = arith.constant 0 : i32
      %dma_start3A_22 = arith.constant 0 : i32
      %dma_start3A_23 = arith.constant 0 : i32
      %dma_start3A_24 = arith.constant 0 : i32
      %dma_start3A_25 = tpu.memref_slice %arg7[%dma_start3A_21, %dma_start3A_23, %dma_start3A_24] : memref<3x256x64xf32, #tpu.memory_space<vmem>> -> memref<1x256x64xf32, #tpu.memory_space<vmem>>
      %dma_start3A_26 = tpu.memref_squeeze %dma_start3A_25 : memref<1x256x64xf32, #tpu.memory_space<vmem>> -> memref<256x64xf32, #tpu.memory_space<vmem>>
      %dma_start3A_27 = arith.constant 0 : i32
      %dma_start3A_28 = tpu.memref_slice %arg5[%dma_start3A_27] : memref<3128xi32, #tpu.memory_space<vmem>> -> memref<256xi32, #tpu.memory_space<vmem>>
      %dma_start3A_29 = arith.constant 0 : i32
      %dma_start3A_30 = arith.constant 0 : i32
      %dma_start3A_31 = tpu.memref_slice %arg6[%dma_start3A_29, %dma_start3A_30] : memref<120x64xf32, #tpu.memory_space<vmem_shared>> -> memref<120x64xf32, #tpu.memory_space<vmem_shared>>
      %dma_start3A_32 = tpu.memref_slice %arg9[%dma_start3A_22] : memref<3x!tpu.dma_semaphore, #tpu.memory_space<semaphore_mem>> -> memref<1x!tpu.dma_semaphore, #tpu.memory_space<semaphore_mem>>
      %dma_start3A_33 = tpu.memref_squeeze %dma_start3A_32 : memref<1x!tpu.dma_semaphore, #tpu.memory_space<semaphore_mem>> -> memref<!tpu.dma_semaphore, #tpu.memory_space<semaphore_mem>>
      tpu.enqueue_indirect_dma source(%dma_start3A_31 : memref<120x64xf32, #tpu.memory_space<vmem_shared>>) target(%dma_start3A_26 : memref<256x64xf32, #tpu.memory_space<vmem>>) offsets(%dma_start3A_28 : memref<256xi32, #tpu.memory_space<vmem>>) semaphore(%dma_start3A_33 : memref<!tpu.dma_semaphore, #tpu.memory_space<semaphore_mem>>)
      %dma_start3A_34 = arith.constant 1 : i32
      %dma_start3A_35 = arith.constant 1 : i32
      %dma_start3A_36 = arith.constant 0 : i32
      %dma_start3A_37 = arith.constant 0 : i32
      %dma_start3A_38 = tpu.memref_slice %arg7[%dma_start3A_34, %dma_start3A_36, %dma_start3A_37] : memref<3x256x64xf32, #tpu.memory_space<vmem>> -> memref<1x256x64xf32, #tpu.memory_space<vmem>>
      %dma_start3A_39 = tpu.memref_squeeze %dma_start3A_38 : memref<1x256x64xf32, #tpu.memory_space<vmem>> -> memref<256x64xf32, #tpu.memory_space<vmem>>
      %dma_start3A_40 = arith.constant 256 : i32
      %dma_start3A_41 = tpu.memref_slice %arg5[%dma_start3A_40] : memref<3128xi32, #tpu.memory_space<vmem>> -> memref<256xi32, #tpu.memory_space<vmem>>
      %dma_start3A_42 = arith.constant 0 : i32
      %dma_start3A_43 = arith.constant 0 : i32
      %dma_start3A_44 = tpu.memref_slice %arg6[%dma_start3A_42, %dma_start3A_43] : memref<120x64xf32, #tpu.memory_space<vmem_shared>> -> memref<120x64xf32, #tpu.memory_space<vmem_shared>>
      %dma_start3A_45 = tpu.memref_slice %arg9[%dma_start3A_35] : memref<3x!tpu.dma_semaphore, #tpu.memory_space<semaphore_mem>> -> memref<1x!tpu.dma_semaphore, #tpu.memory_space<semaphore_mem>>
      %dma_start3A_46 = tpu.memref_squeeze %dma_start3A_45 : memref<1x!tpu.dma_semaphore, #tpu.memory_space<semaphore_mem>> -> memref<!tpu.dma_semaphore, #tpu.memory_space<semaphore_mem>>
      tpu.enqueue_indirect_dma source(%dma_start3A_44 : memref<120x64xf32, #tpu.memory_space<vmem_shared>>) target(%dma_start3A_39 : memref<256x64xf32, #tpu.memory_space<vmem>>) offsets(%dma_start3A_41 : memref<256xi32, #tpu.memory_space<vmem>>) semaphore(%dma_start3A_46 : memref<!tpu.dma_semaphore, #tpu.memory_space<semaphore_mem>>)
      %scan3A = arith.constant 0 : i32
      %scan3A_47 = arith.constant 0 : i32
      %scan3A_48 = arith.constant 11 : i32
      %scan3A_49 = arith.addi %scan3A_47, %scan3A_48 : i32
      %scan3A_50 = arith.constant 1 : i32
      scf.for %scan3A_79 = %scan3A_47 to %scan3A_49 step %scan3A_50  : i32 {
        %mul3A_80 = arith.constant 256 : i32
        %mul3A_81 = arith.muli %scan3A_79, %mul3A_80 : i32
        %jit3A = arith.constant 3 : i32
        %eq3A_82 = arith.constant 0 : i32
        %eq3A_83 = arith.cmpi eq, %jit3A, %eq3A_82 : i32
        %jit3A_84 = arith.constant 1 : i32
        %select_n3A = arith.select %eq3A_83, %jit3A_84, %jit3A : i32
        %rem3A = arith.remsi %scan3A_79, %select_n3A : i32
        %ne3A = arith.constant 0 : i32
        %ne3A_85 = arith.cmpi ne, %rem3A, %ne3A : i32
        %lt3A_86 = arith.constant 0 : i32
        %lt3A_87 = arith.cmpi slt, %rem3A, %lt3A_86 : i32
        %lt3A_88 = arith.constant 0 : i32
        %lt3A_89 = arith.cmpi slt, %select_n3A, %lt3A_88 : i32
        %ne3A_90 = arith.xori %lt3A_87, %lt3A_89 : i1
        %and3A = arith.andi %ne3A_90, %ne3A_85 : i1
        %add3A_91 = arith.addi %rem3A, %select_n3A : i32
        %select_n3A_92 = arith.select %and3A, %add3A_91, %rem3A : i32
        %jit3A_93 = arith.constant 3 : i32
        %eq3A_94 = arith.constant 0 : i32
        %eq3A_95 = arith.cmpi eq, %jit3A_93, %eq3A_94 : i32
        %jit3A_96 = arith.constant 1 : i32
        %select_n3A_97 = arith.select %eq3A_95, %jit3A_96, %jit3A_93 : i32
        %rem3A_98 = arith.remsi %scan3A_79, %select_n3A_97 : i32
        %ne3A_99 = arith.constant 0 : i32
        %ne3A_100 = arith.cmpi ne, %rem3A_98, %ne3A_99 : i32
        %lt3A_101 = arith.constant 0 : i32
        %lt3A_102 = arith.cmpi slt, %rem3A_98, %lt3A_101 : i32
        %lt3A_103 = arith.constant 0 : i32
        %lt3A_104 = arith.cmpi slt, %select_n3A_97, %lt3A_103 : i32
        %ne3A_105 = arith.xori %lt3A_102, %lt3A_104 : i1
        %and3A_106 = arith.andi %ne3A_105, %ne3A_100 : i1
        %add3A_107 = arith.addi %rem3A_98, %select_n3A_97 : i32
        %select_n3A_108 = arith.select %and3A_106, %add3A_107, %rem3A_98 : i32
        %dma_wait3A_109 = arith.constant 0 : i32
        %dma_wait3A_110 = arith.constant 0 : i32
        %dma_wait3A_111 = tpu.memref_slice %arg7[%select_n3A_92, %dma_wait3A_109, %dma_wait3A_110] : memref<3x256x64xf32, #tpu.memory_space<vmem>> -> memref<1x256x64xf32, #tpu.memory_space<vmem>>
        %dma_wait3A_112 = tpu.memref_squeeze %dma_wait3A_111 : memref<1x256x64xf32, #tpu.memory_space<vmem>> -> memref<256x64xf32, #tpu.memory_space<vmem>>
        %dma_wait3A_113 = tpu.memref_slice %arg5[%mul3A_81] : memref<3128xi32, #tpu.memory_space<vmem>> -> memref<256xi32, #tpu.memory_space<vmem>>
        %dma_wait3A_114 = arith.constant 0 : i32
        %dma_wait3A_115 = arith.constant 0 : i32
        %dma_wait3A_116 = tpu.memref_slice %arg6[%dma_wait3A_114, %dma_wait3A_115] : memref<120x64xf32, #tpu.memory_space<vmem_shared>> -> memref<120x64xf32, #tpu.memory_space<vmem_shared>>
        %dma_wait3A_117 = tpu.memref_slice %arg9[%select_n3A_108] : memref<3x!tpu.dma_semaphore, #tpu.memory_space<semaphore_mem>> -> memref<1x!tpu.dma_semaphore, #tpu.memory_space<semaphore_mem>>
        %dma_wait3A_118 = tpu.memref_squeeze %dma_wait3A_117 : memref<1x!tpu.dma_semaphore, #tpu.memory_space<semaphore_mem>> -> memref<!tpu.dma_semaphore, #tpu.memory_space<semaphore_mem>>
        tpu.wait_indirect_dma semaphore(%dma_wait3A_118 : memref<!tpu.dma_semaphore, #tpu.memory_space<semaphore_mem>>) src(%dma_wait3A_116 : memref<120x64xf32, #tpu.memory_space<vmem_shared>>) dst(%dma_wait3A_112 : memref<256x64xf32, #tpu.memory_space<vmem>>)
        %jit3A_119 = arith.constant 3 : i32
        %eq3A_120 = arith.constant 0 : i32
        %eq3A_121 = arith.cmpi eq, %jit3A_119, %eq3A_120 : i32
        %jit3A_122 = arith.constant 1 : i32
        %select_n3A_123 = arith.select %eq3A_121, %jit3A_122, %jit3A_119 : i32
        %rem3A_124 = arith.remsi %scan3A_79, %select_n3A_123 : i32
        %ne3A_125 = arith.constant 0 : i32
        %ne3A_126 = arith.cmpi ne, %rem3A_124, %ne3A_125 : i32
        %lt3A_127 = arith.constant 0 : i32
        %lt3A_128 = arith.cmpi slt, %rem3A_124, %lt3A_127 : i32
        %lt3A_129 = arith.constant 0 : i32
        %lt3A_130 = arith.cmpi slt, %select_n3A_123, %lt3A_129 : i32
        %ne3A_131 = arith.xori %lt3A_128, %lt3A_130 : i1
        %and3A_132 = arith.andi %ne3A_131, %ne3A_126 : i1
        %add3A_133 = arith.addi %rem3A_124, %select_n3A_123 : i32
        %select_n3A_134 = arith.select %and3A_132, %add3A_133, %rem3A_124 : i32
        %mul3A_135 = arith.constant 256 : i32
        %mul3A_136 = arith.muli %scan3A_79, %mul3A_135 : i32
        %add3A_137 = arith.addi %mul3A_2, %mul3A_136 : i32
        %jit3A_138 = arith.constant 3 : i32
        %eq3A_139 = arith.constant 0 : i32
        %eq3A_140 = arith.cmpi eq, %jit3A_138, %eq3A_139 : i32
        %jit3A_141 = arith.constant 1 : i32
        %select_n3A_142 = arith.select %eq3A_140, %jit3A_141, %jit3A_138 : i32
        %rem3A_143 = arith.remsi %scan3A_79, %select_n3A_142 : i32
        %ne3A_144 = arith.constant 0 : i32
        %ne3A_145 = arith.cmpi ne, %rem3A_143, %ne3A_144 : i32
        %lt3A_146 = arith.constant 0 : i32
        %lt3A_147 = arith.cmpi slt, %rem3A_143, %lt3A_146 : i32
        %lt3A_148 = arith.constant 0 : i32
        %lt3A_149 = arith.cmpi slt, %select_n3A_142, %lt3A_148 : i32
        %ne3A_150 = arith.xori %lt3A_147, %lt3A_149 : i1
        %and3A_151 = arith.andi %ne3A_150, %ne3A_145 : i1
        %add3A_152 = arith.addi %rem3A_143, %select_n3A_142 : i32
        %select_n3A_153 = arith.select %and3A_151, %add3A_152, %rem3A_143 : i32
        %dma_start3A_154 = arith.constant 0 : i32
        %dma_start3A_155 = arith.constant 0 : i32
        %dma_start3A_156 = tpu.memref_slice %arg7[%select_n3A_134, %dma_start3A_154, %dma_start3A_155] : memref<3x256x64xf32, #tpu.memory_space<vmem>> -> memref<1x256x64xf32, #tpu.memory_space<vmem>>
        %dma_start3A_157 = tpu.memref_squeeze %dma_start3A_156 : memref<1x256x64xf32, #tpu.memory_space<vmem>> -> memref<256x64xf32, #tpu.memory_space<vmem>>
        %dma_start3A_158 = arith.constant 0 : i32
        %dma_start3A_159 = tpu.memref_slice %arg4[%add3A_137, %dma_start3A_158] : memref<100000x64xf32, #tpu.memory_space<hbm>> -> memref<256x64xf32, #tpu.memory_space<hbm>>
        %dma_start3A_160 = tpu.memref_slice %arg10[%select_n3A_153] : memref<3x!tpu.dma_semaphore, #tpu.memory_space<semaphore_mem>> -> memref<1x!tpu.dma_semaphore, #tpu.memory_space<semaphore_mem>>
        %dma_start3A_161 = tpu.memref_squeeze %dma_start3A_160 : memref<1x!tpu.dma_semaphore, #tpu.memory_space<semaphore_mem>> -> memref<!tpu.dma_semaphore, #tpu.memory_space<semaphore_mem>>
        %dma_start3A_162 = arith.constant 0 : i32
        %dma_start3A_163 = tpu.memref_slice %arg4[%add3A_137, %dma_start3A_162] : memref<100000x64xf32, #tpu.memory_space<hbm>> -> memref<256x64xf32, #tpu.memory_space<hbm>>
        %dma_start3A_164 = arith.constant 0 : i32
        %dma_start3A_165 = arith.constant 0 : i32
        %dma_start3A_166 = tpu.memref_slice %arg7[%select_n3A_134, %dma_start3A_164, %dma_start3A_165] : memref<3x256x64xf32, #tpu.memory_space<vmem>> -> memref<1x256x64xf32, #tpu.memory_space<vmem>>
        %dma_start3A_167 = tpu.memref_squeeze %dma_start3A_166 : memref<1x256x64xf32, #tpu.memory_space<vmem>> -> memref<256x64xf32, #tpu.memory_space<vmem>>
        tpu.enqueue_dma source(%dma_start3A_167 : memref<256x64xf32, #tpu.memory_space<vmem>>) target(%dma_start3A_163 : memref<256x64xf32, #tpu.memory_space<hbm>>) target_semaphore(%dma_start3A_161 : memref<!tpu.dma_semaphore, #tpu.memory_space<semaphore_mem>>)
        %ge3A = arith.constant 1 : i32
        %ge3A_168 = arith.cmpi sge, %scan3A_79, %ge3A : i32
        %convert_element_type3A_169 = arith.extui %ge3A_168 : i1 to i32
        %cond3A_170 = arith.constant 0 : i32
        %cond3A_171 = arith.cmpi ne, %convert_element_type3A_169, %cond3A_170 : i32
        scf.if %cond3A_171 {
          %sub3A_180 = arith.constant 1 : i32
          %sub3A_181 = arith.subi %scan3A_79, %sub3A_180 : i32
          %jit3A_182 = arith.constant 3 : i32
          %eq3A_183 = arith.constant 0 : i32
          %eq3A_184 = arith.cmpi eq, %jit3A_182, %eq3A_183 : i32
          %jit3A_185 = arith.constant 1 : i32
          %select_n3A_186 = arith.select %eq3A_184, %jit3A_185, %jit3A_182 : i32
          %rem3A_187 = arith.remsi %sub3A_181, %select_n3A_186 : i32
          %ne3A_188 = arith.constant 0 : i32
          %ne3A_189 = arith.cmpi ne, %rem3A_187, %ne3A_188 : i32
          %lt3A_190 = arith.constant 0 : i32
          %lt3A_191 = arith.cmpi slt, %rem3A_187, %lt3A_190 : i32
          %lt3A_192 = arith.constant 0 : i32
          %lt3A_193 = arith.cmpi slt, %select_n3A_186, %lt3A_192 : i32
          %ne3A_194 = arith.xori %lt3A_191, %lt3A_193 : i1
          %and3A_195 = arith.andi %ne3A_194, %ne3A_189 : i1
          %add3A_196 = arith.addi %rem3A_187, %select_n3A_186 : i32
          %select_n3A_197 = arith.select %and3A_195, %add3A_196, %rem3A_187 : i32
          %mul3A_198 = arith.constant 256 : i32
          %mul3A_199 = arith.muli %sub3A_181, %mul3A_198 : i32
          %add3A_200 = arith.addi %mul3A_2, %mul3A_199 : i32
          %jit3A_201 = arith.constant 3 : i32
          %eq3A_202 = arith.constant 0 : i32
          %eq3A_203 = arith.cmpi eq, %jit3A_201, %eq3A_202 : i32
          %jit3A_204 = arith.constant 1 : i32
          %select_n3A_205 = arith.select %eq3A_203, %jit3A_204, %jit3A_201 : i32
          %rem3A_206 = arith.remsi %sub3A_181, %select_n3A_205 : i32
          %ne3A_207 = arith.constant 0 : i32
          %ne3A_208 = arith.cmpi ne, %rem3A_206, %ne3A_207 : i32
          %lt3A_209 = arith.constant 0 : i32
          %lt3A_210 = arith.cmpi slt, %rem3A_206, %lt3A_209 : i32
          %lt3A_211 = arith.constant 0 : i32
          %lt3A_212 = arith.cmpi slt, %select_n3A_205, %lt3A_211 : i32
          %ne3A_213 = arith.xori %lt3A_210, %lt3A_212 : i1
          %and3A_214 = arith.andi %ne3A_213, %ne3A_208 : i1
          %add3A_215 = arith.addi %rem3A_206, %select_n3A_205 : i32
          %select_n3A_216 = arith.select %and3A_214, %add3A_215, %rem3A_206 : i32
          %dma_wait3A_217 = arith.constant 0 : i32
          %dma_wait3A_218 = arith.constant 0 : i32
          %dma_wait3A_219 = tpu.memref_slice %arg7[%select_n3A_197, %dma_wait3A_217, %dma_wait3A_218] : memref<3x256x64xf32, #tpu.memory_space<vmem>> -> memref<1x256x64xf32, #tpu.memory_space<vmem>>
          %dma_wait3A_220 = tpu.memref_squeeze %dma_wait3A_219 : memref<1x256x64xf32, #tpu.memory_space<vmem>> -> memref<256x64xf32, #tpu.memory_space<vmem>>
          %dma_wait3A_221 = arith.constant 0 : i32
          %dma_wait3A_222 = tpu.memref_slice %arg4[%add3A_200, %dma_wait3A_221] : memref<100000x64xf32, #tpu.memory_space<hbm>> -> memref<256x64xf32, #tpu.memory_space<hbm>>
          %dma_wait3A_223 = tpu.memref_slice %arg10[%select_n3A_216] : memref<3x!tpu.dma_semaphore, #tpu.memory_space<semaphore_mem>> -> memref<1x!tpu.dma_semaphore, #tpu.memory_space<semaphore_mem>>
          %dma_wait3A_224 = tpu.memref_squeeze %dma_wait3A_223 : memref<1x!tpu.dma_semaphore, #tpu.memory_space<semaphore_mem>> -> memref<!tpu.dma_semaphore, #tpu.memory_space<semaphore_mem>>
          %dma_wait3A_225 = arith.constant 0 : i32
          %dma_wait3A_226 = tpu.memref_slice %arg4[%add3A_200, %dma_wait3A_225] : memref<100000x64xf32, #tpu.memory_space<hbm>> -> memref<256x64xf32, #tpu.memory_space<hbm>>
          %dma_wait3A_227 = arith.constant 0 : i32
          %dma_wait3A_228 = arith.constant 0 : i32
          %dma_wait3A_229 = tpu.memref_slice %arg7[%select_n3A_197, %dma_wait3A_227, %dma_wait3A_228] : memref<3x256x64xf32, #tpu.memory_space<vmem>> -> memref<1x256x64xf32, #tpu.memory_space<vmem>>
          %dma_wait3A_230 = tpu.memref_squeeze %dma_wait3A_229 : memref<1x256x64xf32, #tpu.memory_space<vmem>> -> memref<256x64xf32, #tpu.memory_space<vmem>>
          tpu.wait_dma2 semaphore(%dma_wait3A_224 : memref<!tpu.dma_semaphore, #tpu.memory_space<semaphore_mem>>) src(%dma_wait3A_230 : memref<256x64xf32, #tpu.memory_space<vmem>>) dst(%dma_wait3A_226 : memref<256x64xf32, #tpu.memory_space<hbm>>)
        } else {
        }
        %add3A_172 = arith.constant 3 : i32
        %add3A_173 = arith.addi %scan3A_79, %add3A_172 : i32
        %sub3A = arith.constant 1 : i32
        %sub3A_174 = arith.subi %add3A_173, %sub3A : i32
        %lt3A_175 = arith.constant 11 : i32
        %lt3A_176 = arith.cmpi slt, %sub3A_174, %lt3A_175 : i32
        %convert_element_type3A_177 = arith.extui %lt3A_176 : i1 to i32
        %cond3A_178 = arith.constant 0 : i32
        %cond3A_179 = arith.cmpi ne, %convert_element_type3A_177, %cond3A_178 : i32
        scf.if %cond3A_179 {
          %add3A_180 = arith.constant 3 : i32
          %add3A_181 = arith.addi %scan3A_79, %add3A_180 : i32
          %sub3A_182 = arith.constant 1 : i32
          %sub3A_183 = arith.subi %add3A_181, %sub3A_182 : i32
          %mul3A_184 = arith.constant 256 : i32
          %mul3A_185 = arith.muli %sub3A_183, %mul3A_184 : i32
          %jit3A_186 = arith.constant 3 : i32
          %eq3A_187 = arith.constant 0 : i32
          %eq3A_188 = arith.cmpi eq, %jit3A_186, %eq3A_187 : i32
          %jit3A_189 = arith.constant 1 : i32
          %select_n3A_190 = arith.select %eq3A_188, %jit3A_189, %jit3A_186 : i32
          %rem3A_191 = arith.remsi %sub3A_183, %select_n3A_190 : i32
          %ne3A_192 = arith.constant 0 : i32
          %ne3A_193 = arith.cmpi ne, %rem3A_191, %ne3A_192 : i32
          %lt3A_194 = arith.constant 0 : i32
          %lt3A_195 = arith.cmpi slt, %rem3A_191, %lt3A_194 : i32
          %lt3A_196 = arith.constant 0 : i32
          %lt3A_197 = arith.cmpi slt, %select_n3A_190, %lt3A_196 : i32
          %ne3A_198 = arith.xori %lt3A_195, %lt3A_197 : i1
          %and3A_199 = arith.andi %ne3A_198, %ne3A_193 : i1
          %add3A_200 = arith.addi %rem3A_191, %select_n3A_190 : i32
          %select_n3A_201 = arith.select %and3A_199, %add3A_200, %rem3A_191 : i32
          %jit3A_202 = arith.constant 3 : i32
          %eq3A_203 = arith.constant 0 : i32
          %eq3A_204 = arith.cmpi eq, %jit3A_202, %eq3A_203 : i32
          %jit3A_205 = arith.constant 1 : i32
          %select_n3A_206 = arith.select %eq3A_204, %jit3A_205, %jit3A_202 : i32
          %rem3A_207 = arith.remsi %sub3A_183, %select_n3A_206 : i32
          %ne3A_208 = arith.constant 0 : i32
          %ne3A_209 = arith.cmpi ne, %rem3A_207, %ne3A_208 : i32
          %lt3A_210 = arith.constant 0 : i32
          %lt3A_211 = arith.cmpi slt, %rem3A_207, %lt3A_210 : i32
          %lt3A_212 = arith.constant 0 : i32
          %lt3A_213 = arith.cmpi slt, %select_n3A_206, %lt3A_212 : i32
          %ne3A_214 = arith.xori %lt3A_211, %lt3A_213 : i1
          %and3A_215 = arith.andi %ne3A_214, %ne3A_209 : i1
          %add3A_216 = arith.addi %rem3A_207, %select_n3A_206 : i32
          %select_n3A_217 = arith.select %and3A_215, %add3A_216, %rem3A_207 : i32
          %dma_start3A_218 = arith.constant 0 : i32
          %dma_start3A_219 = arith.constant 0 : i32
          %dma_start3A_220 = tpu.memref_slice %arg7[%select_n3A_201, %dma_start3A_218, %dma_start3A_219] : memref<3x256x64xf32, #tpu.memory_space<vmem>> -> memref<1x256x64xf32, #tpu.memory_space<vmem>>
          %dma_start3A_221 = tpu.memref_squeeze %dma_start3A_220 : memref<1x256x64xf32, #tpu.memory_space<vmem>> -> memref<256x64xf32, #tpu.memory_space<vmem>>
          %dma_start3A_222 = tpu.memref_slice %arg5[%mul3A_185] : memref<3128xi32, #tpu.memory_space<vmem>> -> memref<256xi32, #tpu.memory_space<vmem>>
          %dma_start3A_223 = arith.constant 0 : i32
          %dma_start3A_224 = arith.constant 0 : i32
          %dma_start3A_225 = tpu.memref_slice %arg6[%dma_start3A_223, %dma_start3A_224] : memref<120x64xf32, #tpu.memory_space<vmem_shared>> -> memref<120x64xf32, #tpu.memory_space<vmem_shared>>
          %dma_start3A_226 = tpu.memref_slice %arg9[%select_n3A_217] : memref<3x!tpu.dma_semaphore, #tpu.memory_space<semaphore_mem>> -> memref<1x!tpu.dma_semaphore, #tpu.memory_space<semaphore_mem>>
          %dma_start3A_227 = tpu.memref_squeeze %dma_start3A_226 : memref<1x!tpu.dma_semaphore, #tpu.memory_space<semaphore_mem>> -> memref<!tpu.dma_semaphore, #tpu.memory_space<semaphore_mem>>
          tpu.enqueue_indirect_dma source(%dma_start3A_225 : memref<120x64xf32, #tpu.memory_space<vmem_shared>>) target(%dma_start3A_221 : memref<256x64xf32, #tpu.memory_space<vmem>>) offsets(%dma_start3A_222 : memref<256xi32, #tpu.memory_space<vmem>>) semaphore(%dma_start3A_227 : memref<!tpu.dma_semaphore, #tpu.memory_space<semaphore_mem>>)
        } else {
        }
      }
      %scan3A_51 = arith.constant 11 : i32
      %add3A_52 = arith.constant 2560 : i32
      %add3A_53 = arith.addi %mul3A_2, %add3A_52 : i32
      %dma_wait3A = arith.constant 1 : i32
      %dma_wait3A_54 = arith.constant 1 : i32
      %dma_wait3A_55 = arith.constant 0 : i32
      %dma_wait3A_56 = arith.constant 0 : i32
      %dma_wait3A_57 = tpu.memref_slice %arg7[%dma_wait3A, %dma_wait3A_55, %dma_wait3A_56] : memref<3x256x64xf32, #tpu.memory_space<vmem>> -> memref<1x256x64xf32, #tpu.memory_space<vmem>>
      %dma_wait3A_58 = tpu.memref_squeeze %dma_wait3A_57 : memref<1x256x64xf32, #tpu.memory_space<vmem>> -> memref<256x64xf32, #tpu.memory_space<vmem>>
      %dma_wait3A_59 = arith.constant 0 : i32
      %dma_wait3A_60 = tpu.memref_slice %arg4[%add3A_53, %dma_wait3A_59] : memref<100000x64xf32, #tpu.memory_space<hbm>> -> memref<256x64xf32, #tpu.memory_space<hbm>>
      %dma_wait3A_61 = tpu.memref_slice %arg10[%dma_wait3A_54] : memref<3x!tpu.dma_semaphore, #tpu.memory_space<semaphore_mem>> -> memref<1x!tpu.dma_semaphore, #tpu.memory_space<semaphore_mem>>
      %dma_wait3A_62 = tpu.memref_squeeze %dma_wait3A_61 : memref<1x!tpu.dma_semaphore, #tpu.memory_space<semaphore_mem>> -> memref<!tpu.dma_semaphore, #tpu.memory_space<semaphore_mem>>
      %dma_wait3A_63 = arith.constant 0 : i32
      %dma_wait3A_64 = tpu.memref_slice %arg4[%add3A_53, %dma_wait3A_63] : memref<100000x64xf32, #tpu.memory_space<hbm>> -> memref<256x64xf32, #tpu.memory_space<hbm>>
      %dma_wait3A_65 = arith.constant 0 : i32
      %dma_wait3A_66 = arith.constant 0 : i32
      %dma_wait3A_67 = tpu.memref_slice %arg7[%dma_wait3A, %dma_wait3A_65, %dma_wait3A_66] : memref<3x256x64xf32, #tpu.memory_space<vmem>> -> memref<1x256x64xf32, #tpu.memory_space<vmem>>
      %dma_wait3A_68 = tpu.memref_squeeze %dma_wait3A_67 : memref<1x256x64xf32, #tpu.memory_space<vmem>> -> memref<256x64xf32, #tpu.memory_space<vmem>>
      tpu.wait_dma2 semaphore(%dma_wait3A_62 : memref<!tpu.dma_semaphore, #tpu.memory_space<semaphore_mem>>) src(%dma_wait3A_68 : memref<256x64xf32, #tpu.memory_space<vmem>>) dst(%dma_wait3A_64 : memref<256x64xf32, #tpu.memory_space<hbm>>)
      %dma_wait3A_69 = arith.constant 0 : i32
      %dma_wait3A_70 = arith.constant 0 : i32
      %dma_wait3A_71 = tpu.memref_slice %arg8[%dma_wait3A_69, %dma_wait3A_70] : memref<216x64xf32, #tpu.memory_space<vmem>> -> memref<216x64xf32, #tpu.memory_space<vmem>>
      %dma_wait3A_72 = arith.constant 2816 : i32
      %dma_wait3A_73 = tpu.memref_slice %arg5[%dma_wait3A_72] : memref<3128xi32, #tpu.memory_space<vmem>> -> memref<216xi32, #tpu.memory_space<vmem>>
      %dma_wait3A_74 = arith.constant 0 : i32
      %dma_wait3A_75 = arith.constant 0 : i32
      %dma_wait3A_76 = tpu.memref_slice %arg6[%dma_wait3A_74, %dma_wait3A_75] : memref<120x64xf32, #tpu.memory_space<vmem_shared>> -> memref<120x64xf32, #tpu.memory_space<vmem_shared>>
      tpu.wait_indirect_dma semaphore(%arg11 : memref<!tpu.dma_semaphore, #tpu.memory_space<semaphore_mem>>) src(%dma_wait3A_76 : memref<120x64xf32, #tpu.memory_space<vmem_shared>>) dst(%dma_wait3A_71 : memref<216x64xf32, #tpu.memory_space<vmem>>)
      %add3A_77 = arith.constant 2816 : i32
      %add3A_78 = arith.addi %mul3A_2, %add3A_77 : i32
      "tpu.region"() ({
        %run_scoped3A = tpu.sem_alloc : memref<!tpu.dma_semaphore, #tpu.memory_space<semaphore_mem>>
        %dma_start3A_79 = arith.constant 0 : i32
        %dma_start3A_80 = arith.constant 0 : i32
        %dma_start3A_81 = tpu.memref_slice %arg8[%dma_start3A_79, %dma_start3A_80] : memref<216x64xf32, #tpu.memory_space<vmem>> -> memref<216x64xf32, #tpu.memory_space<vmem>>
        %dma_start3A_82 = arith.constant 0 : i32
        %dma_start3A_83 = tpu.memref_slice %arg4[%add3A_78, %dma_start3A_82] : memref<100000x64xf32, #tpu.memory_space<hbm>> -> memref<216x64xf32, #tpu.memory_space<hbm>>
        %dma_start3A_84 = arith.constant 0 : i32
        %dma_start3A_85 = tpu.memref_slice %arg4[%add3A_78, %dma_start3A_84] : memref<100000x64xf32, #tpu.memory_space<hbm>> -> memref<216x64xf32, #tpu.memory_space<hbm>>
        %dma_start3A_86 = arith.constant 0 : i32
        %dma_start3A_87 = arith.constant 0 : i32
        %dma_start3A_88 = tpu.memref_slice %arg8[%dma_start3A_86, %dma_start3A_87] : memref<216x64xf32, #tpu.memory_space<vmem>> -> memref<216x64xf32, #tpu.memory_space<vmem>>
        tpu.enqueue_dma source(%dma_start3A_88 : memref<216x64xf32, #tpu.memory_space<vmem>>) target(%dma_start3A_85 : memref<216x64xf32, #tpu.memory_space<hbm>>) target_semaphore(%run_scoped3A : memref<!tpu.dma_semaphore, #tpu.memory_space<semaphore_mem>>)
        %dma_wait3A_89 = arith.constant 0 : i32
        %dma_wait3A_90 = arith.constant 0 : i32
        %dma_wait3A_91 = tpu.memref_slice %arg8[%dma_wait3A_89, %dma_wait3A_90] : memref<216x64xf32, #tpu.memory_space<vmem>> -> memref<216x64xf32, #tpu.memory_space<vmem>>
        %dma_wait3A_92 = arith.constant 0 : i32
        %dma_wait3A_93 = tpu.memref_slice %arg4[%add3A_78, %dma_wait3A_92] : memref<100000x64xf32, #tpu.memory_space<hbm>> -> memref<216x64xf32, #tpu.memory_space<hbm>>
        %dma_wait3A_94 = arith.constant 0 : i32
        %dma_wait3A_95 = tpu.memref_slice %arg4[%add3A_78, %dma_wait3A_94] : memref<100000x64xf32, #tpu.memory_space<hbm>> -> memref<216x64xf32, #tpu.memory_space<hbm>>
        %dma_wait3A_96 = arith.constant 0 : i32
        %dma_wait3A_97 = arith.constant 0 : i32
        %dma_wait3A_98 = tpu.memref_slice %arg8[%dma_wait3A_96, %dma_wait3A_97] : memref<216x64xf32, #tpu.memory_space<vmem>> -> memref<216x64xf32, #tpu.memory_space<vmem>>
        tpu.wait_dma2 semaphore(%run_scoped3A : memref<!tpu.dma_semaphore, #tpu.memory_space<semaphore_mem>>) src(%dma_wait3A_98 : memref<216x64xf32, #tpu.memory_space<vmem>>) dst(%dma_wait3A_95 : memref<216x64xf32, #tpu.memory_space<hbm>>)
        tpu.yield
      }) : () -> ()
    } else {
    }
    return
  }
}

</mosaic_0001>

<sc_bundles>
// kernel: _sc_gather.3.cloned.1.call-start
scs
__scs_entry_jumppad:
0x0: {  	(pc) =	sbr.rel $0x88, $3  }
0x1: {  	(tag) =	ssettag $0x0;
	lr =	simm.s32 $0x1  }
0x2: {  	[smem:$0x3F9F] =	sst lr;
	_ =	strace $0xD0000000  }
0x3: {  	_ = 	snop  }
0x4: {  	_ = 	snop  }
0x5: {  	_ = 	snop  }
0x6: {  	_ = 	snop  }
0x7: {  	_ = 	snop  }
__scs_overlays_trampoline_lowered:
0x8: {  	[smem:$0x3FAE] =	sst s0  }
0x9: {  	[smem:$0x3FAF] =	sst s1  }
0xa: {  	[smem:$0x3FB0] =	sst s2  }
0xb: {  	[smem:$0x3FB1] =	sst s3  }
0xc: {  	[smem:$0x3FB2] =	sst s4  }
0xd: {  	[smem:$0x3FB3] =	sst s5  }
0xe: {  	[smem:$0x3FB4] =	sst s6  }
0xf: {  	[smem:$0x3FB5] =	sst s7  }
0x10: {  	[smem:$0x3FB6] =	sst s8  }
0x11: {  	[smem:$0x3FB7] =	sst s9;
	s0 =	simm.s32 @!p0 $0x0  }
0x12: {  	s1 =	sld [smem:$0x3F9D];
	s0 =	simm.s32 @p0 $0x1  }
0x13: {  	[smem:$0x3FB8] =	sst s0;
	s0 =	simm.s32 @!p1 $0x0  }
0x14: {  	s2 =	sld [smem:$0x3F9C];
	s0 =	simm.s32 @p1 $0x1  }
0x15: {  	[smem:$0x3FB9] =	sst s0;
	s0 =	simm.s32 @!p2 $0x0  }
0x16: {  	s3 =	sld [smem:$0x3FDB];
	s0 =	simm.s32 @p2 $0x1  }
0x17: {  	s4 =	simm.s32 $0x1BF5;
	[smem:$0x3FBB] =	sst s0  }
0x18: {  	s0 =	sld [smem:$0x3F9E];
	_ =	swait.ge [sflag:s4], $0x0  }
0x19: {  	s7 =	sld [smem:$0x3F9F]  }
0x1a: {  	s8 =	sadd.s32 $0xFFFFE003, lr  }
0x1b: {  	s9 =	sadd.s32 $0xFFFFFEF7, lr;
	s5 =	simm.s32 $0xFFFFFFFF;
	p2 =	slt.u32 s8, $0xFFFFF086  }
0x1c: {  	p1 =	slt.u32 s9, $0xF7A;
	s5 =	simm.s32 @!p2 $0x0  }
0x1d: {  	s5 =	simm.s32 @p1 $0x1;
	p0 =	seq.s32 s7, s2  }
0x1e: {  	s7 =	smul.u32 @!p0 $0xF7A, s2;
	p2 =	seq.s32 @!p0 s5, $0x0  }
0x1f: {  	s9 =	smul.u32 $0xF7A, s1;
	s8 =	simm.s32 @!p0 $0x1BF5;
	p2 =	por !p2, p0  }
0x20: {  	[sflag:s8] =	ssyncset.s32 @!p0 $0xFFFFF086;
	s6 =	sadd.s32 @!p0 s3, s7;
	s7 =	simm.s32 @!p0 $0x108  }
0x21: {  	s3 =	sadd.s32 s3, s9;
	s6 =	sadd.s32 @!p0 $0x88, s6;
	s7 =	simm.s32 @p2 $0x1082  }
0x22: {  	[simem:s7], [sflag:s8] =	dma.local @!p0 [hbm:s6], $0xF7A  }
0x23: {  	s9 =	sor.u32 $0xD0000000, s2;
	s6 =	simm.s32 $0x108;
	_ =	swait.ge @!p0 [sflag:s8], $0x0  }
0x24: {  	s3 =	sadd.s32 $0x88, s3;
	s6 =	simm.s32 @!p1 $0x1082;
	[sflag:s4] =	ssyncset.s32 $0xFFFFF086  }
0x25: {  	[simem:s6], [sflag:s4] =	dma.local [hbm:s3], $0xF7A  }
0x26: {  	[smem:$0x3F9F] =	sst s1;
	(tag) =	ssettag s2;
	_ =	strace s9  }
0x27: {  	s1 =	sld [smem:$0x3FAF]  }
0x28: {  	s2 =	sld [smem:$0x3FB0]  }
0x29: {  	s4 =	sld [smem:$0x3FB2]  }
0x2a: {  	p0 =	seq.s32 s5, $0x0;
	s5 =	sld [smem:$0x3FB3]  }
0x2b: {  	s6 =	sld [smem:$0x3FB4]  }
0x2c: {  	s7 =	sld [smem:$0x3FB5]  }
0x2d: {  	s3 =	simm.s32 $0x108;
	s8 =	sld [smem:$0x3FB6]  }
0x2e: {  	s3 =	simm.s32 @!p0 $0x1082;
	s9 =	sld [smem:$0x3FB7]  }
0x2f: {  	lr =	sadd.s32 s0, s3;
	s0 =	sld [smem:$0x3FAE]  }
0x30: {  	s3 =	sld [smem:$0x3FB1]  }
0x31: {  	[smem:$0x3FBA] =	sst s10  }
0x32: {  	s10 =	sld [smem:$0x3FB8];
	_ =	sdelay $0x3  }
0x33: {  	p0 =	seq.s32 s10, $0x1;
	s10 =	sld [smem:$0x3FBA];
	_ =	sdelay $0x3  }
0x34: {  	[smem:$0x3FBA] =	sst s10  }
0x35: {  	s10 =	sld [smem:$0x3FB9];
	_ =	sdelay $0x3  }
0x36: {  	p1 =	seq.s32 s10, $0x1;
	s10 =	sld [smem:$0x3FBA];
	_ =	sdelay $0x3  }
0x37: {  	[smem:$0x3FBA] =	sst s10  }
0x38: {  	s10 =	sld [smem:$0x3FBB]  }
0x39: {  	_ = 	snop;
	(pc) =	sbr.ind lr, $3  }
0x3a: {  	_ = 	snop  }
0x3b: {  	_ = 	snop  }
0x3c: {  	p2 =	seq.s32 s10, $0x1;
	s10 =	sld [smem:$0x3FBA]  }
0x3d: {  	_ =	shalt  }
0x3e: {  	_ =	shalt  }
0x3f: {  	_ =	shalt  }
0x40: {  	_ =	shalt  }
0x41: {  	_ =	shalt  }
0x42: {  	_ =	shalt  }
0x43: {  	_ =	shalt  }
0x44: {  	_ =	shalt  }
0x45: {  	_ =	shalt  }
0x46: {  	_ =	shalt  }
0x47: {  	_ =	shalt  }
0x48: {  	_ =	shalt  }
0x49: {  	_ =	shalt  }
0x4a: {  	_ =	shalt  }
0x4b: {  	_ =	shalt  }
0x4c: {  	_ =	shalt  }
0x4d: {  	_ =	shalt  }
0x4e: {  	_ =	shalt  }
0x4f: {  	_ =	shalt  }
0x50: {  	_ =	shalt  }
0x51: {  	_ =	shalt  }
0x52: {  	_ =	shalt  }
0x53: {  	_ =	shalt  }
0x54: {  	_ =	shalt  }
0x55: {  	_ =	shalt  }
0x56: {  	_ =	shalt  }
0x57: {  	_ =	shalt  }
0x58: {  	_ =	shalt  }
0x59: {  	_ =	shalt  }
0x5a: {  	_ =	shalt  }
0x5b: {  	_ =	shalt  }
0x5c: {  	_ =	shalt  }
0x5d: {  	_ =	shalt  }
0x5e: {  	_ =	shalt  }
0x5f: {  	_ =	shalt  }
0x60: {  	_ =	shalt  }
0x61: {  	_ =	shalt  }
0x62: {  	_ =	shalt  }
0x63: {  	_ =	shalt  }
0x64: {  	_ =	shalt  }
0x65: {  	_ =	shalt  }
0x66: {  	_ =	shalt  }
0x67: {  	_ =	shalt  }
0x68: {  	_ =	shalt  }
0x69: {  	_ =	shalt  }
0x6a: {  	_ =	shalt  }
0x6b: {  	_ =	shalt  }
0x6c: {  	_ =	shalt  }
0x6d: {  	_ =	shalt  }
0x6e: {  	_ =	shalt  }
0x6f: {  	_ =	shalt  }
0x70: {  	_ =	shalt  }
0x71: {  	_ =	shalt  }
0x72: {  	_ =	shalt  }
0x73: {  	_ =	shalt  }
0x74: {  	_ =	shalt  }
0x75: {  	_ =	shalt  }
0x76: {  	_ =	shalt  }
0x77: {  	_ =	shalt  }
0x78: {  	_ =	shalt  }
0x79: {  	_ =	shalt  }
0x7a: {  	_ =	shalt  }
0x7b: {  	_ =	shalt  }
0x7c: {  	_ =	shalt  }
0x7d: {  	_ =	shalt  }
0x7e: {  	_ =	shalt  }
0x7f: {  	_ =	shalt  }
0x80: {  	_ =	shalt  }
0x81: {  	_ =	shalt  }
0x82: {  	_ =	shalt  }
0x83: {  	_ =	shalt  }
0x84: {  	_ =	shalt  }
0x85: {  	_ =	shalt  }
0x86: {  	_ =	shalt  }
0x87: {  	_ =	shalt  }
.Lfunc_end0:
.L_simem_size_0:
called_computation_lowered:
.L_overlay_start_0:
0x88: {  	s2 =	sld [smem:$0x3FD9]  }
0x89: {  	s3 =	sld [smem:$0x3FFE];
	_ =	sdelay $0x1  }
0x8a: {  	s1 =	srdreg.scid  }
0x8b: {  	s0 =	sand.u32 $0x1, s1  }
0x8c: {  	s17 =	sshll.u32 s0, $0xA;
	s2 =	sadd.s32 s3, s2  }
0x8d: {  	s2 =	sadd.s32 s2, s17  }
0x8e: {  	[smem:$0x3FC6] =	sst s2  }
0x8f: {  	_ = 	snop  }
0x90: {  	s2 =	sld [smem:$0x3FC8]  }
0x91: {  	s18 =	sld [smem:$0x3FD0];
	(tm) =	ssettm $0x1  }
0x92: {  	s4 =	sld [smem:$0x3FFB];
	_ =	sdelay $0x3  }
0x93: {  	_ =	strace s4  }
0x94: {  	s4 =	sld [smem:$0x3FFC];
	_ =	sdelay $0x3  }
0x95: {  	_ =	strace s4  }
0x96: {  	s4 =	sld [smem:$0x3FFD];
	_ =	sdelay $0x3  }
0x97: {  	_ =	strace s4  }
0x98: {  	_ =	strace $0x8FFFFFFF  }
0x99: {  	s19 =	sld [smem:$0x3FDB];
	_ =	sdelay $0x1  }
0x9a: {  	s5 =	simm.s32 $_scs_section_size  }
0x9b: {  	s6 =	simm.s32 $_size__tile_overlayer_lowered;
	s7 =	simm.s32 $_tile_overlayer_lowered  }
0x9c: {  	s22 =	simm.s32 $0x1BFF;
	s21 =	sshll.u32 s7, $0x1;
	s4 =	sadd.s32 s5, s19  }
0x9d: {  	s8 =	simm.s32 $0x0;
	s20 =	sshll.u32 s6, $0x1;
	s6 =	sadd.s32 s21, s4  }
0x9e: {  	[timem:s8], [sflag:s22] =	dma.local [hbm:s6], s20  }
0x9f: {  	_ =	swait.ge [sflag:s22], s20  }
0xa0: {  	s5 =	ssub.s32 $0x0, s20;
	[sflag:s22] =	ssyncset.done $0x0  }
0xa1: {  	[sflag:s22] =	ssyncadd.s32 s5;
	_ =	sdelay $0x1  }
0xa2: {  	s23 =	simm.s32 $0x1B8B  }
0xa3: {  	_ =	swait.ge [sflag:s23], $0x1  }
0xa4: {  	[sflag:s23] =	ssyncset.done $0x0  }
0xa5: {  	s25 =	simm.s32 $0x1B8E;
	s24 =	sld [smem:$0x3FFE];
	[sflag:s23] =	ssyncadd.s32 $0xFFFFFFFF  }
0xa6: {  	s26 =	simm.s32 $execute0_lowered;
	[smem:$0x3FD2] =	sst s25  }
0xa7: {  	s6 =	sshll.u32 s26, $0x1;
	_ =	strace $0x80000046;
	[dreg:$0x1] =	wrdreg $0xFFFFFFFF  }
0xa8: {  	s28 =	simm.s32 $_size_execute0_lowered;
	s4 =	sadd.s32 s4, s6;
	[dreg:$0x0] =	wrdreg $0x0  }
0xa9: {  	s6 =	sshll.u32 s28, $0x1;
	[dreg:$0x2] =	wrdreg s4  }
0xaa: {  	[dreg:$0x3] =	wrdreg s6  }
0xab: {  	[dreg:$0x4] =	wrdreg $0xC0  }
0xac: {  	_ =	task [dreg:s8], $0x5FFFF  }
0xad: {  	[dreg:$0x1] =	wrdreg $0xFFFFFFFF  }
0xae: {  	[dreg:$0x0] =	wrdreg $0x60  }
0xaf: {  	[dreg:$0x2] =	wrdreg s24  }
0xb0: {  	[dreg:$0x3] =	wrdreg s2  }
0xb1: {  	[dreg:$0x4] =	wrdreg s18  }
0xb2: {  	[dreg:$0x5] =	wrdreg $0xC380  }
0xb3: {  	[dreg:$0x6] =	wrdreg $0x9  }
0xb4: {  	_ =	task.clear_ibuf [dreg:s8], $0x7FFFF;
	_ =	strace $0x90000046  }
0xb5: {  	s29 =	simm.s32 $0x9;
	_ =	strace $0x80000048  }
0xb6: {  	_ =	swait.ge [sflag:s29], $0x1  }
0xb7: {  	[sflag:s29] =	ssyncadd.s32 $0xFFFFFFFF  }
0xb8: {  	_ =	strace $0x90000048  }
0xb9: {  	_ =	sfence  }
0xba: {  	s30 =	sld [smem:$0x0];
	_ =	sdelay $0x2  }
0xbb: {  	s31 =	sshll.u32 s1, $0xD;
	s1 =	sshrl.u32 s1, $0x2  }
0xbc: {  	s3 =	sand.u32 $0x4000, s31;
	s1 =	sadd.s32 s1, s30  }
0xbd: {  	s0 =	sor.u32 s3, s0;
	s1 =	sshll.u32 s1, $0x11  }
0xbe: {  	s0 =	sor.u32 s1, s0  }
0xbf: {  	s0 =	sadd.s32 $0x8F2B, s0  }
0xc0: {  	[sflag:s0] =	ssyncadd.remote.s32 $0x1  }
0xc1: {  	_ =	sfence.sel $0xFFFF  }
0xc2: {  	[dreg:$0x0] =	wrdreg $0xFFFFFFFF;
	(pc) =	sbr.abs _section_cstart, $3  }
0xc3: {  	[dreg:$0x1] =	wrdreg $0xFFFFFFFF  }
0xc4: {  	_ =	task.clear_ibuf [dreg:s8], $0x2FFFF;
	_ =	strace $0x9FFFFFFF  }
0xc5: {  	(tm) =	ssettm $0x7FFFFFFF  }
tec
execute0_lowered:
.L_overlay_start_1:
0x0: {  	(tag) =	ssettag $0x1  }
0x1: {  	s3 =	rddreg [dreg:$0x0]  }
0x2: {  	s6 =	rddreg [dreg:$0x1]  }
0x3: {  	s10 =	rddreg [dreg:$0x2];
	s0 =	srdreg.scid  }
0x4: {  	s11 =	stileid.u32;
	s1 =	rddreg [dreg:$0x3]  }
0x5: {  	s2 =	simm.s32 $0x0;
	s15 =	simm.s32 $0xCE18;
	s16 =	simm.s32 $0x100  }
0x6: {  	s17 =	simm.s32 $0xE18;
	s18 =	simm.s32 $0x4E18;
	s19 =	simm.s32 $0x5  }
0x7: {  	s20 =	simm.s32 $0x7;
	s21 =	simm.s32 $0x38;
	s22 =	simm.s32 $0xC00  }
0x8: {  	s23 =	simm.s32 $0x6;
	s24 =	simm.s32 $0x0;
	s4 =	sand.u32 $0x1, s0  }
0x9: {  	s5 =	sshll.u32 s11, $0x1;
	[smem:$0x7FF] =	sst s2;
	s9 =	smul.u32 $0x61C00, s11  }
0xa: {  	s3 =	sadd.s32 $0x400, s3;
	s12 =	sor.u32 s4, s5;
	s14 =	smul.u32 $0x30E00, s4  }
0xb: {  	p0 =	sne.s32 s11, $0x0;
	_ =	strace $0x80000047;
	s5 =	smul.u32 $0x187, s12  }
0xc: {  	s8 =	ssub.s32 $0x2, s4;
	s11 =	sshrl.u32 @!p0 s1, $0x3;
	s7 =	smul.u32 $0x30E00, s12  }
0xd: {  	s13 =	sshrl.u32 s8, $0x1;
	p1 =	seq.s32 s12, $0x1F;
	s12 =	simm.s32 $0x8  }
.Ltmp0:
0xe: {  	s8 =	ssub.s32 s8, s13;
	s9 =	sadd.s32 s14, s9;
	(pc) =	sbr.rel .LBB2_1-.Ltmp0, $4  }
0xf: {  	s13 =	simm.s32 $0xD8;
	s14 =	simm.s32 $0xB00;
	s7 =	sshrl.u32 s7, $0x3  }
0x10: {  	s4 =	sadd.s32 s6, s5;
	s6 =	sadd.s32 $0x2F59, s6;
	s8 =	smax.u32 s8, $0x1  }
0x11: {  	s9 =	sshrl.u32 s9, $0x3;
	s31 =	sadd.s32 s10, s7;
	s7 =	sadd.s32 $0xC2E40, s10  }
0x12: {  	s9 =	sadd.s32 s9, s10;
	s10 =	sadd.s32 $0xBD640, s10;
	s5 =	sadd.s32 $0x6000, s31  }
.LBB2_4:
0x13: {  	_ =	swait.ge [sflag:s23], $0x4000  }
0x14: {  	[sflag:s23] =	ssyncset.done $0x0  }
0x15: {  	[sflag:s23] =	ssyncadd.s32 $0xFFFFC000  }
0x16: {  	_ =	swait.ge [sflag:s20], $0xE00  }
0x17: {  	[sflag:s20] =	ssyncset.done $0x0  }
0x18: {  	[sflag:s20] =	ssyncadd.s32 $0xFFFFF200  }
0x19: {  	[hbm4b:s5+s2] =	stream.linear.scatter [tilespmem:s15], [sflag:$0x8], $0xE00, $0x38;
	[tilespmem:$0x10418] =	vst v63  }
0x1a: {  	_ =	swait.ge [sflag:s12], $0xE00  }
0x1b: {  	[sflag:s12] =	ssyncset.done $0x0  }
0x1c: {  	[sflag:s12] =	ssyncadd.s32 $0xFFFFF200  }
.LBB2_8:
0x1d: {  	s24 =	sadd.s32 $0x1, s24  }
0x1e: {  	p2 =	sne.s32 s24, s8  }
.Ltmp1:
0x1f: {  	_ = 	snop;
	(pc) =	sbr.rel @!p2 .LBB2_9-.Ltmp1, $1  }
0x20: {  	_ =	sdelay $0x3  }
.LBB2_1:
0x21: {  	s25 =	simm.s32 @!p0 $0x1C08  }
0x22: {  	[spmem:s11], [sflag:s25] =	dma.local @!p0 [hbm:s3], $0x3C0  }
.Ltmp2:
0x23: {  	_ = 	snop;
	(pc) =	sbr.rel @!p1 .LBB2_2-.Ltmp2, $4  }
0x24: {  	s25 =	simm.s32 @!p0 $0x8  }
0x25: {  	_ =	swait.ge @!p0 [sflag:s25], $0x3C0  }
0x26: {  	[sflag:s25] =	ssyncset.done @!p0 $0x0  }
0x27: {  	[sflag:s25] =	ssyncadd.s32 @!p0 $0xFFFFFC40;
	s25 =	simm.s32 $0x0  }
0x28: {  	[tilespmem:s25], [sflag:$0x8] =	stream.linear.gather [hbm4b:s6+s25], $0xBD8, $0x38;
	[tilespmem:$0x10418] =	vst v63  }
0x29: {  	_ =	swait.ge [sflag:s12], $0xBD8  }
0x2a: {  	[sflag:s12] =	ssyncset.done $0x0  }
0x2b: {  	[sflag:s12] =	ssyncadd.s32 $0xFFFFF428  }
0x2c: {  	[bflag:$0x0] =	sbarrier.arrive $0xFFFF  }
0x2d: {  	[tilespmem:s15], [sflag:$0x7] =	stream.indirect.gather [spmem:s1], $0x40, s14, s13, $0xb8;
	[tilespmem:$0x10418] =	vst v63  }
0x2e: {  	_ = 	snop  }
0x2f: {  	[tilespmem:s17], [sflag:$0x1] =	stream.indirect.gather [spmem:s1], $0x40, s25, s16, $0xb8;
	[tilespmem:$0x10418] =	vst v63  }
0x30: {  	s26 =	simm.s32 $0x200;
	s28 =	smov.u32 s10  }
0x31: {  	[tilespmem:s18], [sflag:$0x2] =	stream.indirect.gather [spmem:s1], $0x40, s16, s16, $0xb8;
	[tilespmem:$0x10418] =	vst v63  }
.LBB2_6:
0x32: {  	s0 =	smul.u32 $0xAB, s25;
	_ =	sdelay $0x1  }
0x33: {  	s0 =	sshrl.u32 s0, $0x9  }
0x34: {  	s0 =	sand.u32 $0x7F, s0  }
0x35: {  	s0 =	smul.u32 $0x3, s0;
	_ =	sdelay $0x1  }
0x36: {  	p2 =	seq.s32 s25, $0x0;
	s0 =	ssub.s32 s25, s0  }
0x37: {  	s29 =	sadd.s32 @!p2 $0xFFFFFFFF, s25;
	s0 =	sand.u32 $0xFF, s0  }
0x38: {  	s31 =	sand.u32 @!p2 $0xFF, s29;
	s30 =	sadd.s32 $0x1, s0  }
0x39: {  	s31 =	smul.u32 @!p2 $0xAB, s31;
	_ =	swait.ge [sflag:s30], $0x4000  }
0x3a: {  	[sflag:s30] =	ssyncset.done $0x0  }
0x3b: {  	s31 =	sshrl.u32 @!p2 s31, $0x9;
	[sflag:s30] =	ssyncadd.s32 $0xFFFFC000;
	s30 =	sshll.u32 s0, $0xE  }
0x3c: {  	s31 =	smul.u32 @!p2 $0x3, s31;
	s0 =	sor.u32 $0x4, s0;
	s30 =	sor.u32 $0xE18, s30  }
0x3d: {  	[hbm4b:s28+s2] =	stream.linear.scatter [tilespmem:s30], [sflag:s0], $0x4000, $0x38;
	[tilespmem:$0x10418] =	vst v63  }
0x3e: {  	s0 =	ssub.s32 @!p2 s29, s31  }
0x3f: {  	s0 =	sor.u32 @!p2 $0x4, s0  }
0x40: {  	s0 =	sand.u32 @!p2 $0xFF, s0  }
0x41: {  	p3 =	sgt.u32 @!p2 s25, $0x8;
	_ =	swait.ge @!p2 [sflag:s0], $0x4000  }
0x42: {  	p3 =	por p2, !p3;
	[sflag:s0] =	ssyncset.done @!p2 $0x0  }
0x43: {  	[sflag:s0] =	ssyncadd.s32 @!p2 $0xFFFFC000;
	s0 =	sadd.s32 @p3 $0x2, s25  }
0x44: {  	s29 =	smul.u32 @p3 $0xAB, s0;
	_ =	sdelay $0x1  }
0x45: {  	s29 =	sshrl.u32 @p3 s29, $0x9  }
0x46: {  	s29 =	sand.u32 @p3 $0x7F, s29  }
0x47: {  	s29 =	smul.u32 @p3 $0x3, s29  }
0x48: {  	s25 =	sadd.s32 $0x1, s25  }
0x49: {  	p2 =	sne.s32 s25, $0xB;
	s0 =	ssub.s32 @p3 s0, s29  }
.Ltmp3:
0x4a: {  	s0 =	sand.u32 @p3 $0xFF, s0;
	(pc) =	sbr.rel @p2 .LBB2_6-.Ltmp3, $4  }
0x4b: {  	s29 =	sshll.u32 @p3 s0, $0xE  }
0x4c: {  	s0 =	sadd.s32 @p3 $0x1, s0;
	s29 =	sor.u32 @p3 $0xE18, s29  }
0x4d: {  	[tilespmem:s29], [sflag:s0] =	stream.indirect.gather @p3 [spmem:s1], $0x40, s26, s16, $0xb8;
	[tilespmem:$0x10418] =	vst v63  }
0x4e: {  	s28 =	sadd.s32 $0x800, s28;
	s26 =	sadd.s32 $0x100, s26  }
0x4f: {  	_ =	swait.ge [sflag:s19], $0x4000  }
0x50: {  	[sflag:s19] =	ssyncset.done $0x0  }
0x51: {  	[sflag:s19] =	ssyncadd.s32 $0xFFFFC000  }
0x52: {  	_ =	swait.ge [sflag:s20], $0x3600  }
0x53: {  	[sflag:s20] =	ssyncset.done $0x0  }
.Ltmp4:
0x54: {  	[sflag:s20] =	ssyncadd.s32 $0xFFFFCA00;
	(pc) =	sbr.rel .LBB2_8-.Ltmp4, $4  }
0x55: {  	[hbm4b:s7+s2] =	stream.linear.scatter [tilespmem:s15], [sflag:$0x8], $0x3600, $0x38;
	[tilespmem:$0x10418] =	vst v63  }
0x56: {  	_ =	swait.ge [sflag:s12], $0x3600  }
0x57: {  	[sflag:s12] =	ssyncset.done $0x0  }
0x58: {  	[sflag:s12] =	ssyncadd.s32 $0xFFFFCA00  }
.LBB2_2:
0x59: {  	[tilespmem:s25], [sflag:$0x8] =	stream.linear.gather [hbm4b:s4+s25], $0xC38, $0x38;
	[tilespmem:$0x10418] =	vst v63  }
0x5a: {  	_ =	swait.ge [sflag:s12], $0xC38  }
0x5b: {  	[sflag:s12] =	ssyncset.done $0x0  }
0x5c: {  	[sflag:s12] =	ssyncadd.s32 $0xFFFFF3C8  }
0x5d: {  	[bflag:$0x0] =	sbarrier.arrive $0xFFFF  }
0x5e: {  	[tilespmem:s15], [sflag:$0x7] =	stream.indirect.gather [spmem:s1], $0x40, s22, s21, $0xb8;
	[tilespmem:$0x10418] =	vst v63  }
0x5f: {  	_ = 	snop  }
0x60: {  	[tilespmem:s17], [sflag:$0x1] =	stream.indirect.gather [spmem:s1], $0x40, s25, s16, $0xb8;
	[tilespmem:$0x10418] =	vst v63  }
0x61: {  	s26 =	simm.s32 $0x200;
	s28 =	smov.u32 s9  }
0x62: {  	[tilespmem:s18], [sflag:$0x2] =	stream.indirect.gather [spmem:s1], $0x40, s16, s16, $0xb8;
	[tilespmem:$0x10418] =	vst v63  }
.LBB2_3:
0x63: {  	s29 =	smul.u32 $0xAB, s25;
	_ =	sdelay $0x1  }
0x64: {  	p2 =	seq.s32 s25, $0x0;
	s29 =	sshrl.u32 s29, $0x9  }
0x65: {  	s30 =	sadd.s32 @!p2 $0xFFFFFFFF, s25;
	s29 =	sand.u32 $0x7F, s29  }
0x66: {  	s0 =	sand.u32 @!p2 $0xFF, s30;
	s29 =	smul.u32 $0x3, s29  }
0x67: {  	s0 =	smul.u32 @!p2 $0xAB, s0  }
0x68: {  	s29 =	ssub.s32 s25, s29  }
0x69: {  	s0 =	sshrl.u32 @!p2 s0, $0x9;
	s29 =	sand.u32 $0xFF, s29  }
0x6a: {  	s0 =	smul.u32 @!p2 $0x3, s0;
	s31 =	sadd.s32 $0x1, s29  }
0x6b: {  	_ =	swait.ge [sflag:s31], $0x4000  }
0x6c: {  	s0 =	ssub.s32 @!p2 s30, s0;
	[sflag:s31] =	ssyncset.done $0x0  }
0x6d: {  	s0 =	sor.u32 @!p2 $0x4, s0;
	[sflag:s31] =	ssyncadd.s32 $0xFFFFC000;
	s31 =	sshll.u32 s29, $0xE  }
0x6e: {  	s0 =	sand.u32 @!p2 $0xFF, s0;
	s29 =	sor.u32 $0x4, s29;
	s31 =	sor.u32 $0xE18, s31  }
0x6f: {  	[hbm4b:s28+s2] =	stream.linear.scatter [tilespmem:s31], [sflag:s29], $0x4000, $0x38;
	[tilespmem:$0x10418] =	vst v63  }
0x70: {  	p3 =	sgt.u32 @!p2 s25, $0x9;
	_ =	swait.ge @!p2 [sflag:s0], $0x4000  }
0x71: {  	p3 =	por p2, !p3;
	[sflag:s0] =	ssyncset.done @!p2 $0x0  }
0x72: {  	[sflag:s0] =	ssyncadd.s32 @!p2 $0xFFFFC000;
	s0 =	sadd.s32 @p3 $0x2, s25  }
0x73: {  	s29 =	smul.u32 @p3 $0xAB, s0;
	_ =	sdelay $0x1  }
0x74: {  	s29 =	sshrl.u32 @p3 s29, $0x9  }
0x75: {  	s29 =	sand.u32 @p3 $0x7F, s29  }
0x76: {  	s29 =	smul.u32 @p3 $0x3, s29  }
0x77: {  	s25 =	sadd.s32 $0x1, s25  }
0x78: {  	p2 =	sne.s32 s25, $0xC;
	s0 =	ssub.s32 @p3 s0, s29  }
.Ltmp5:
0x79: {  	s0 =	sand.u32 @p3 $0xFF, s0;
	(pc) =	sbr.rel @p2 .LBB2_3-.Ltmp5, $4  }
0x7a: {  	s29 =	sshll.u32 @p3 s0, $0xE  }
0x7b: {  	s0 =	sadd.s32 @p3 $0x1, s0;
	s29 =	sor.u32 @p3 $0xE18, s29  }
0x7c: {  	[tilespmem:s29], [sflag:s0] =	stream.indirect.gather @p3 [spmem:s1], $0x40, s26, s16, $0xb8;
	[tilespmem:$0x10418] =	vst v63  }
0x7d: {  	s28 =	sadd.s32 $0x800, s28;
	s26 =	sadd.s32 $0x100, s26  }
.Ltmp6:
0x7e: {  	_ = 	snop;
	(pc) =	sbr.rel .LBB2_4-.Ltmp6, $1  }
0x7f: {  	_ =	sdelay $0x3  }
.LBB2_9:
0x80: {  	_ =	sfence.sel $0x180000  }
0x81: {  	[bflag:$0x0] =	sbarrier.arrive $0xFFFF  }
0x82: {  	_ =	strace $0x90000047  }
0x83: {  	[bflag:$0x2] =	sbarrier.arrive $0xFFFF  }
0x84: {  	s0 =	rddreg [dreg:$0x4]  }
0x85: {  	s0 =	sadd.s32 @!p0 $0x100000, s0  }
0x86: {  	[sflag:s0] =	ssyncadd.tile.s32 @!p0 $0x1;
	_ =	shalt  }
.Lfunc_end2:
_tile_overlayer_lowered:
.L_overlay_start_2:
0x87: {  	(tag) =	ssettag $0x2  }
0x88: {  	s0 =	rddreg [dreg:$0x0];
	s2 =	stileid.u32  }
0x89: {  	s1 =	rddreg [dreg:$0x1];
	p0 =	sne.s32 s2, $0x0  }
0x8a: {  	s3 =	rddreg [dreg:$0x2];
	[bflag:$0x3] =	sbarrier.arrive $0xFFFF;
	s2 =	simm.s32 @!p0 $0x1C08  }
0x8b: {  	[timem:s3], [sflag:s2] =	dma.local @!p0 [hbm:s0], s1  }
0x8c: {  	s0 =	simm.s32 @!p0 $0x8  }
0x8d: {  	_ =	swait.ge @!p0 [sflag:s0], s1  }
0x8e: {  	s1 =	ssub.s32 @!p0 $0x0, s1;
	[sflag:s0] =	ssyncset.done @!p0 $0x0  }
0x8f: {  	[sflag:s0] =	ssyncadd.s32 @!p0 s1  }
0x90: {  	[bflag:$0x3] =	sbarrier.arrive $0xFFFF  }
0x91: {  	_ =	shalt  }

</sc_bundles>
